<compile_context>
chip_gen: v7x
topology: tpu7x:2x2x1
jax: 0.10.2.dev20260603
libtpu: 0.0.44.dev20260713+nightly
codegen_flags: <defaults>
</compile_context>

<pallas_src>
import functools

import jax
import jax.numpy as jnp
from jax import lax
from jax.experimental import pallas as pl
from jax.experimental.pallas import tpu as pltpu
from jax.experimental.pallas import tpu_sc as plsc

NUM_CODES = 8192
DIM = 32
TILE_M = 4096

_NC = 2
_NS = 16
_NW = _NC * _NS
_CHUNK = 128


_SUB = 256
_N_SUB = TILE_M // _SUB


def _vq_kernel(z_ref, emb_ref, idx_ref, en_ref):
    @pl.when(pl.program_id(0) == 0)
    def _():
        e = emb_ref[...]
        nn = jnp.sqrt(jnp.sum(e * e, axis=1, keepdims=True))
        en_ref[...] = e / jnp.maximum(nn, 1e-12)

    xt = z_ref[0]
    en = en_ref[...]
    parts = []
    for s in range(_N_SUB):
        x = xt[:, s * _SUB:(s + 1) * _SUB].T
        n = jnp.sqrt(jnp.sum(x * x, axis=1, keepdims=True))
        ez = x / jnp.maximum(n, 1e-12)
        sim = jax.lax.dot_general(ez, en, (((1,), (1,)), ((), ())))
        parts.append(jnp.argmax(sim, axis=1).astype(jnp.int32))
    idx_ref[0, 0, :] = jnp.concatenate(parts)


def _make_sc_gather(b_total):
    b_per_w = b_total // _NW
    n_chunks = b_per_w // _CHUNK
    mesh = plsc.VectorSubcoreMesh(core_axis_name="c", subcore_axis_name="s")

    @functools.partial(
        pl.kernel,
        mesh=mesh,
        compiler_params=pltpu.CompilerParams(use_tc_tiling_on_sc=False),
        out_type=jax.ShapeDtypeStruct((b_total, DIM), jnp.float32),
        scratch_types=[
            pltpu.VMEM((n_chunks, _CHUNK), jnp.int32),
            pltpu.VMEM((b_per_w, DIM), jnp.float32),
            pltpu.SemaphoreType.DMA,
        ],
    )
    def sc_gather(table_hbm, idx_hbm, out_hbm, idx_v, rows_v, sem):
        wid = lax.axis_index("s") * _NC + lax.axis_index("c")
        base = wid * b_per_w
        pltpu.sync_copy(idx_hbm.at[wid], idx_v)
        for j in range(n_chunks):
            pltpu.async_copy(
                table_hbm.at[idx_v.at[j]],
                rows_v.at[pl.ds(j * _CHUNK, _CHUNK)],
                sem,
            )
        for j in range(n_chunks):
            pltpu.make_async_copy(
                table_hbm.at[idx_v.at[j]],
                rows_v.at[pl.ds(j * _CHUNK, _CHUNK)],
                sem,
            ).wait()
        pltpu.sync_copy(rows_v, out_hbm.at[pl.ds(base, b_per_w)])

    return sc_gather


def _vq_idx(z_part, embedding):
    bp, d, tq = z_part.shape
    mp = bp * tq
    t_tiles = tq // TILE_M
    return pl.pallas_call(
        _vq_kernel,
        grid=(mp // TILE_M,),
        in_specs=[
            pl.BlockSpec((1, DIM, TILE_M),
                         lambda i: (i // t_tiles, 0, i % t_tiles)),
            pl.BlockSpec((NUM_CODES, DIM), lambda i: (0, 0)),
        ],
        out_specs=pl.BlockSpec((1, 1, TILE_M), lambda i: (i, 0, 0)),
        out_shape=jax.ShapeDtypeStruct((mp // TILE_M, 1, TILE_M), jnp.int32),
        scratch_shapes=[pltpu.VMEM((NUM_CODES, DIM), jnp.float32)],
    )(z_part, embedding)


def kernel(z, embedding):
    b, d, tq = z.shape
    m = b * tq

    idx_flat = _vq_idx(z, embedding).reshape(m)
    idx_w = idx_flat.reshape(_NW, m // (_NW * _CHUNK), _CHUNK)
    zqf = _make_sc_gather(m)(embedding, idx_w)

    idx = idx_flat.reshape(b, tq)
    z_q = jnp.transpose(zqf.reshape(b, tq, d), (0, 2, 1))
    z_q_st = z + jax.lax.stop_gradient(z_q - z)
    return (z_q_st, idx, z_q)

# --- scband reference (transcript-rebuilt; emitter-appended) ---
"""Pipeline reference for scband-vector-quantizer-ema1-d-52544629899302 (READ-ONLY COPY).

The authoritative reference and input builder live on the scoring server;
editing this copy changes nothing except your own understanding.
"""

import jax, jax.numpy as jnp
import numpy as np

NUM_EMBEDDINGS = 8192
EMBEDDING_DIM = 32

def _l2_normalize(x, axis=-1, eps=1e-12):
    n = jnp.linalg.norm(x, axis=axis, keepdims=True)
    return x / jnp.maximum(n, eps)

def setup_inputs(seed: int = 0) -> dict:
    key = jax.random.key(seed)
    k1, k2 = jax.random.split(key)
    z = jax.random.normal(k1, (8, 32, 4096), dtype=jnp.float32)
    embed = jax.random.normal(k2, (NUM_EMBEDDINGS, EMBEDDING_DIM), dtype=jnp.float32)
    embed = _l2_normalize(embed, axis=-1)
    return {"z": z, "embedding": embed}

def reference(z, embedding):
    # eval-mode forward (no EMA update)
    b, d, tq = z.shape
    flat = jnp.transpose(z, (0, 2, 1)).reshape(b * tq, d)
    ez = _l2_normalize(flat, axis=-1)
    e = _l2_normalize(embedding, axis=-1)
    sim = ez @ e.T
    idx = jnp.argmax(sim, axis=-1)
    z_q = jnp.take(embedding, idx, axis=0).reshape(b, tq, d)
    z_q = jnp.transpose(z_q, (0, 2, 1))
    z_q_st = z + jax.lax.stop_gradient(z_q - z)
    return (z_q_st, idx.reshape(b, tq), z_q)

if __name__ == "__main__":
    import jax
    _d = setup_inputs()
    print(jax.jit(kernel)(*tuple(_d.values())))

</pallas_src>

<mosaic_0001>
#map = affine_map<(d0, d1) -> (0, 0)>
#map1 = affine_map<(d0, d1) -> (0, 0, 0)>
module attributes {stable_mosaic.version = 14 : i64} {
  func.func @sc_gather(%arg0: i32, %arg1: i32, %arg2: memref<8192x32xf32, #tpu.memory_space<hbm>>, %arg3: memref<32x8x128xi32, #tpu.memory_space<hbm>>, %arg4: memref<32768x32xf32, #tpu.memory_space<hbm>>, %arg5: memref<8x128xi32, #tpu.memory_space<vmem>>, %arg6: memref<1024x32xf32, #tpu.memory_space<vmem>>, %arg7: memref<!tpu.dma_semaphore, #tpu.memory_space<semaphore_mem>>) attributes {dimension_semantics = [#tpu.dimension_semantics<core_parallel>, #tpu.dimension_semantics<subcore_parallel>], iteration_bounds = array<i64: 2, 16>, scalar_prefetch = 0 : i64, scratch_operands = 3 : i64, tpu.core_type = #tpu.core_type<sc_vector_subcore>, window_params = [{transform_indices = #map}, {transform_indices = #map1}, {transform_indices = #map}]} {
    %mul3A = arith.constant 2 : i32
    %mul3A_0 = arith.muli %arg1, %mul3A : i32
    %add3A = arith.addi %mul3A_0, %arg0 : i32
    %mul3A_1 = arith.constant 1024 : i32
    %mul3A_2 = arith.muli %add3A, %mul3A_1 : i32
    "tpu.region"() ({
      %run_scoped3A = tpu.sem_alloc : memref<!tpu.dma_semaphore, #tpu.memory_space<semaphore_mem>>
      %dma_start3A_161 = arith.constant 0 : i32
      %dma_start3A_162 = arith.constant 0 : i32
      %dma_start3A_163 = tpu.memref_slice %arg3[%add3A, %dma_start3A_161, %dma_start3A_162] : memref<32x8x128xi32, #tpu.memory_space<hbm>> -> memref<1x8x128xi32, #tpu.memory_space<hbm>>
      %dma_start3A_164 = tpu.memref_squeeze %dma_start3A_163 : memref<1x8x128xi32, #tpu.memory_space<hbm>> -> memref<8x128xi32, #tpu.memory_space<hbm>>
      %dma_start3A_165 = arith.constant 0 : i32
      %dma_start3A_166 = arith.constant 0 : i32
      %dma_start3A_167 = tpu.memref_slice %arg3[%add3A, %dma_start3A_165, %dma_start3A_166] : memref<32x8x128xi32, #tpu.memory_space<hbm>> -> memref<1x8x128xi32, #tpu.memory_space<hbm>>
      %dma_start3A_168 = tpu.memref_squeeze %dma_start3A_167 : memref<1x8x128xi32, #tpu.memory_space<hbm>> -> memref<8x128xi32, #tpu.memory_space<hbm>>
      tpu.enqueue_dma source(%dma_start3A_168 : memref<8x128xi32, #tpu.memory_space<hbm>>) target(%arg5 : memref<8x128xi32, #tpu.memory_space<vmem>>) target_semaphore(%run_scoped3A : memref<!tpu.dma_semaphore, #tpu.memory_space<semaphore_mem>>)
      %dma_wait3A_169 = arith.constant 0 : i32
      %dma_wait3A_170 = arith.constant 0 : i32
      %dma_wait3A_171 = tpu.memref_slice %arg3[%add3A, %dma_wait3A_169, %dma_wait3A_170] : memref<32x8x128xi32, #tpu.memory_space<hbm>> -> memref<1x8x128xi32, #tpu.memory_space<hbm>>
      %dma_wait3A_172 = tpu.memref_squeeze %dma_wait3A_171 : memref<1x8x128xi32, #tpu.memory_space<hbm>> -> memref<8x128xi32, #tpu.memory_space<hbm>>
      %dma_wait3A_173 = arith.constant 0 : i32
      %dma_wait3A_174 = arith.constant 0 : i32
      %dma_wait3A_175 = tpu.memref_slice %arg3[%add3A, %dma_wait3A_173, %dma_wait3A_174] : memref<32x8x128xi32, #tpu.memory_space<hbm>> -> memref<1x8x128xi32, #tpu.memory_space<hbm>>
      %dma_wait3A_176 = tpu.memref_squeeze %dma_wait3A_175 : memref<1x8x128xi32, #tpu.memory_space<hbm>> -> memref<8x128xi32, #tpu.memory_space<hbm>>
      tpu.wait_dma2 semaphore(%run_scoped3A : memref<!tpu.dma_semaphore, #tpu.memory_space<semaphore_mem>>) src(%dma_wait3A_176 : memref<8x128xi32, #tpu.memory_space<hbm>>) dst(%arg5 : memref<8x128xi32, #tpu.memory_space<vmem>>)
      tpu.yield
    }) : () -> ()
    %dma_start3A = arith.constant 0 : i32
    %dma_start3A_3 = arith.constant 0 : i32
    %dma_start3A_4 = arith.constant 0 : i32
    %dma_start3A_5 = tpu.memref_slice %arg6[%dma_start3A_3, %dma_start3A_4] : memref<1024x32xf32, #tpu.memory_space<vmem>> -> memref<128x32xf32, #tpu.memory_space<vmem>>
    %dma_start3A_6 = arith.constant 0 : i32
    %dma_start3A_7 = tpu.memref_slice %arg5[%dma_start3A, %dma_start3A_6] : memref<8x128xi32, #tpu.memory_space<vmem>> -> memref<1x128xi32, #tpu.memory_space<vmem>>
    %dma_start3A_8 = tpu.memref_squeeze %dma_start3A_7 : memref<1x128xi32, #tpu.memory_space<vmem>> -> memref<128xi32, #tpu.memory_space<vmem>>
    %dma_start3A_9 = arith.constant 0 : i32
    %dma_start3A_10 = arith.constant 0 : i32
    %dma_start3A_11 = tpu.memref_slice %arg2[%dma_start3A_9, %dma_start3A_10] : memref<8192x32xf32, #tpu.memory_space<hbm>> -> memref<8192x32xf32, #tpu.memory_space<hbm>>
    tpu.enqueue_indirect_dma source(%dma_start3A_11 : memref<8192x32xf32, #tpu.memory_space<hbm>>) target(%dma_start3A_5 : memref<128x32xf32, #tpu.memory_space<vmem>>) offsets(%dma_start3A_8 : memref<128xi32, #tpu.memory_space<vmem>>) semaphore(%arg7 : memref<!tpu.dma_semaphore, #tpu.memory_space<semaphore_mem>>)
    %dma_start3A_12 = arith.constant 1 : i32
    %dma_start3A_13 = arith.constant 128 : i32
    %dma_start3A_14 = arith.constant 0 : i32
    %dma_start3A_15 = tpu.memref_slice %arg6[%dma_start3A_13, %dma_start3A_14] : memref<1024x32xf32, #tpu.memory_space<vmem>> -> memref<128x32xf32, #tpu.memory_space<vmem>>
    %dma_start3A_16 = arith.constant 0 : i32
    %dma_start3A_17 = tpu.memref_slice %arg5[%dma_start3A_12, %dma_start3A_16] : memref<8x128xi32, #tpu.memory_space<vmem>> -> memref<1x128xi32, #tpu.memory_space<vmem>>
    %dma_start3A_18 = tpu.memref_squeeze %dma_start3A_17 : memref<1x128xi32, #tpu.memory_space<vmem>> -> memref<128xi32, #tpu.memory_space<vmem>>
    %dma_start3A_19 = arith.constant 0 : i32
    %dma_start3A_20 = arith.constant 0 : i32
    %dma_start3A_21 = tpu.memref_slice %arg2[%dma_start3A_19, %dma_start3A_20] : memref<8192x32xf32, #tpu.memory_space<hbm>> -> memref<8192x32xf32, #tpu.memory_space<hbm>>
    tpu.enqueue_indirect_dma source(%dma_start3A_21 : memref<8192x32xf32, #tpu.memory_space<hbm>>) target(%dma_start3A_15 : memref<128x32xf32, #tpu.memory_space<vmem>>) offsets(%dma_start3A_18 : memref<128xi32, #tpu.memory_space<vmem>>) semaphore(%arg7 : memref<!tpu.dma_semaphore, #tpu.memory_space<semaphore_mem>>)
    %dma_start3A_22 = arith.constant 2 : i32
    %dma_start3A_23 = arith.constant 256 : i32
    %dma_start3A_24 = arith.constant 0 : i32
    %dma_start3A_25 = tpu.memref_slice %arg6[%dma_start3A_23, %dma_start3A_24] : memref<1024x32xf32, #tpu.memory_space<vmem>> -> memref<128x32xf32, #tpu.memory_space<vmem>>
    %dma_start3A_26 = arith.constant 0 : i32
    %dma_start3A_27 = tpu.memref_slice %arg5[%dma_start3A_22, %dma_start3A_26] : memref<8x128xi32, #tpu.memory_space<vmem>> -> memref<1x128xi32, #tpu.memory_space<vmem>>
    %dma_start3A_28 = tpu.memref_squeeze %dma_start3A_27 : memref<1x128xi32, #tpu.memory_space<vmem>> -> memref<128xi32, #tpu.memory_space<vmem>>
    %dma_start3A_29 = arith.constant 0 : i32
    %dma_start3A_30 = arith.constant 0 : i32
    %dma_start3A_31 = tpu.memref_slice %arg2[%dma_start3A_29, %dma_start3A_30] : memref<8192x32xf32, #tpu.memory_space<hbm>> -> memref<8192x32xf32, #tpu.memory_space<hbm>>
    tpu.enqueue_indirect_dma source(%dma_start3A_31 : memref<8192x32xf32, #tpu.memory_space<hbm>>) target(%dma_start3A_25 : memref<128x32xf32, #tpu.memory_space<vmem>>) offsets(%dma_start3A_28 : memref<128xi32, #tpu.memory_space<vmem>>) semaphore(%arg7 : memref<!tpu.dma_semaphore, #tpu.memory_space<semaphore_mem>>)
    %dma_start3A_32 = arith.constant 3 : i32
    %dma_start3A_33 = arith.constant 384 : i32
    %dma_start3A_34 = arith.constant 0 : i32
    %dma_start3A_35 = tpu.memref_slice %arg6[%dma_start3A_33, %dma_start3A_34] : memref<1024x32xf32, #tpu.memory_space<vmem>> -> memref<128x32xf32, #tpu.memory_space<vmem>>
    %dma_start3A_36 = arith.constant 0 : i32
    %dma_start3A_37 = tpu.memref_slice %arg5[%dma_start3A_32, %dma_start3A_36] : memref<8x128xi32, #tpu.memory_space<vmem>> -> memref<1x128xi32, #tpu.memory_space<vmem>>
    %dma_start3A_38 = tpu.memref_squeeze %dma_start3A_37 : memref<1x128xi32, #tpu.memory_space<vmem>> -> memref<128xi32, #tpu.memory_space<vmem>>
    %dma_start3A_39 = arith.constant 0 : i32
    %dma_start3A_40 = arith.constant 0 : i32
    %dma_start3A_41 = tpu.memref_slice %arg2[%dma_start3A_39, %dma_start3A_40] : memref<8192x32xf32, #tpu.memory_space<hbm>> -> memref<8192x32xf32, #tpu.memory_space<hbm>>
    tpu.enqueue_indirect_dma source(%dma_start3A_41 : memref<8192x32xf32, #tpu.memory_space<hbm>>) target(%dma_start3A_35 : memref<128x32xf32, #tpu.memory_space<vmem>>) offsets(%dma_start3A_38 : memref<128xi32, #tpu.memory_space<vmem>>) semaphore(%arg7 : memref<!tpu.dma_semaphore, #tpu.memory_space<semaphore_mem>>)
    %dma_start3A_42 = arith.constant 4 : i32
    %dma_start3A_43 = arith.constant 512 : i32
    %dma_start3A_44 = arith.constant 0 : i32
    %dma_start3A_45 = tpu.memref_slice %arg6[%dma_start3A_43, %dma_start3A_44] : memref<1024x32xf32, #tpu.memory_space<vmem>> -> memref<128x32xf32, #tpu.memory_space<vmem>>
    %dma_start3A_46 = arith.constant 0 : i32
    %dma_start3A_47 = tpu.memref_slice %arg5[%dma_start3A_42, %dma_start3A_46] : memref<8x128xi32, #tpu.memory_space<vmem>> -> memref<1x128xi32, #tpu.memory_space<vmem>>
    %dma_start3A_48 = tpu.memref_squeeze %dma_start3A_47 : memref<1x128xi32, #tpu.memory_space<vmem>> -> memref<128xi32, #tpu.memory_space<vmem>>
    %dma_start3A_49 = arith.constant 0 : i32
    %dma_start3A_50 = arith.constant 0 : i32
    %dma_start3A_51 = tpu.memref_slice %arg2[%dma_start3A_49, %dma_start3A_50] : memref<8192x32xf32, #tpu.memory_space<hbm>> -> memref<8192x32xf32, #tpu.memory_space<hbm>>
    tpu.enqueue_indirect_dma source(%dma_start3A_51 : memref<8192x32xf32, #tpu.memory_space<hbm>>) target(%dma_start3A_45 : memref<128x32xf32, #tpu.memory_space<vmem>>) offsets(%dma_start3A_48 : memref<128xi32, #tpu.memory_space<vmem>>) semaphore(%arg7 : memref<!tpu.dma_semaphore, #tpu.memory_space<semaphore_mem>>)
    %dma_start3A_52 = arith.constant 5 : i32
    %dma_start3A_53 = arith.constant 640 : i32
    %dma_start3A_54 = arith.constant 0 : i32
    %dma_start3A_55 = tpu.memref_slice %arg6[%dma_start3A_53, %dma_start3A_54] : memref<1024x32xf32, #tpu.memory_space<vmem>> -> memref<128x32xf32, #tpu.memory_space<vmem>>
    %dma_start3A_56 = arith.constant 0 : i32
    %dma_start3A_57 = tpu.memref_slice %arg5[%dma_start3A_52, %dma_start3A_56] : memref<8x128xi32, #tpu.memory_space<vmem>> -> memref<1x128xi32, #tpu.memory_space<vmem>>
    %dma_start3A_58 = tpu.memref_squeeze %dma_start3A_57 : memref<1x128xi32, #tpu.memory_space<vmem>> -> memref<128xi32, #tpu.memory_space<vmem>>
    %dma_start3A_59 = arith.constant 0 : i32
    %dma_start3A_60 = arith.constant 0 : i32
    %dma_start3A_61 = tpu.memref_slice %arg2[%dma_start3A_59, %dma_start3A_60] : memref<8192x32xf32, #tpu.memory_space<hbm>> -> memref<8192x32xf32, #tpu.memory_space<hbm>>
    tpu.enqueue_indirect_dma source(%dma_start3A_61 : memref<8192x32xf32, #tpu.memory_space<hbm>>) target(%dma_start3A_55 : memref<128x32xf32, #tpu.memory_space<vmem>>) offsets(%dma_start3A_58 : memref<128xi32, #tpu.memory_space<vmem>>) semaphore(%arg7 : memref<!tpu.dma_semaphore, #tpu.memory_space<semaphore_mem>>)
    %dma_start3A_62 = arith.constant 6 : i32
    %dma_start3A_63 = arith.constant 768 : i32
    %dma_start3A_64 = arith.constant 0 : i32
    %dma_start3A_65 = tpu.memref_slice %arg6[%dma_start3A_63, %dma_start3A_64] : memref<1024x32xf32, #tpu.memory_space<vmem>> -> memref<128x32xf32, #tpu.memory_space<vmem>>
    %dma_start3A_66 = arith.constant 0 : i32
    %dma_start3A_67 = tpu.memref_slice %arg5[%dma_start3A_62, %dma_start3A_66] : memref<8x128xi32, #tpu.memory_space<vmem>> -> memref<1x128xi32, #tpu.memory_space<vmem>>
    %dma_start3A_68 = tpu.memref_squeeze %dma_start3A_67 : memref<1x128xi32, #tpu.memory_space<vmem>> -> memref<128xi32, #tpu.memory_space<vmem>>
    %dma_start3A_69 = arith.constant 0 : i32
    %dma_start3A_70 = arith.constant 0 : i32
    %dma_start3A_71 = tpu.memref_slice %arg2[%dma_start3A_69, %dma_start3A_70] : memref<8192x32xf32, #tpu.memory_space<hbm>> -> memref<8192x32xf32, #tpu.memory_space<hbm>>
    tpu.enqueue_indirect_dma source(%dma_start3A_71 : memref<8192x32xf32, #tpu.memory_space<hbm>>) target(%dma_start3A_65 : memref<128x32xf32, #tpu.memory_space<vmem>>) offsets(%dma_start3A_68 : memref<128xi32, #tpu.memory_space<vmem>>) semaphore(%arg7 : memref<!tpu.dma_semaphore, #tpu.memory_space<semaphore_mem>>)
    %dma_start3A_72 = arith.constant 7 : i32
    %dma_start3A_73 = arith.constant 896 : i32
    %dma_start3A_74 = arith.constant 0 : i32
    %dma_start3A_75 = tpu.memref_slice %arg6[%dma_start3A_73, %dma_start3A_74] : memref<1024x32xf32, #tpu.memory_space<vmem>> -> memref<128x32xf32, #tpu.memory_space<vmem>>
    %dma_start3A_76 = arith.constant 0 : i32
    %dma_start3A_77 = tpu.memref_slice %arg5[%dma_start3A_72, %dma_start3A_76] : memref<8x128xi32, #tpu.memory_space<vmem>> -> memref<1x128xi32, #tpu.memory_space<vmem>>
    %dma_start3A_78 = tpu.memref_squeeze %dma_start3A_77 : memref<1x128xi32, #tpu.memory_space<vmem>> -> memref<128xi32, #tpu.memory_space<vmem>>
    %dma_start3A_79 = arith.constant 0 : i32
    %dma_start3A_80 = arith.constant 0 : i32
    %dma_start3A_81 = tpu.memref_slice %arg2[%dma_start3A_79, %dma_start3A_80] : memref<8192x32xf32, #tpu.memory_space<hbm>> -> memref<8192x32xf32, #tpu.memory_space<hbm>>
    tpu.enqueue_indirect_dma source(%dma_start3A_81 : memref<8192x32xf32, #tpu.memory_space<hbm>>) target(%dma_start3A_75 : memref<128x32xf32, #tpu.memory_space<vmem>>) offsets(%dma_start3A_78 : memref<128xi32, #tpu.memory_space<vmem>>) semaphore(%arg7 : memref<!tpu.dma_semaphore, #tpu.memory_space<semaphore_mem>>)
    %dma_wait3A = arith.constant 0 : i32
    %dma_wait3A_82 = arith.constant 0 : i32
    %dma_wait3A_83 = arith.constant 0 : i32
    %dma_wait3A_84 = tpu.memref_slice %arg6[%dma_wait3A_82, %dma_wait3A_83] : memref<1024x32xf32, #tpu.memory_space<vmem>> -> memref<128x32xf32, #tpu.memory_space<vmem>>
    %dma_wait3A_85 = arith.constant 0 : i32
    %dma_wait3A_86 = tpu.memref_slice %arg5[%dma_wait3A, %dma_wait3A_85] : memref<8x128xi32, #tpu.memory_space<vmem>> -> memref<1x128xi32, #tpu.memory_space<vmem>>
    %dma_wait3A_87 = tpu.memref_squeeze %dma_wait3A_86 : memref<1x128xi32, #tpu.memory_space<vmem>> -> memref<128xi32, #tpu.memory_space<vmem>>
    %dma_wait3A_88 = arith.constant 0 : i32
    %dma_wait3A_89 = arith.constant 0 : i32
    %dma_wait3A_90 = tpu.memref_slice %arg2[%dma_wait3A_88, %dma_wait3A_89] : memref<8192x32xf32, #tpu.memory_space<hbm>> -> memref<8192x32xf32, #tpu.memory_space<hbm>>
    tpu.wait_indirect_dma semaphore(%arg7 : memref<!tpu.dma_semaphore, #tpu.memory_space<semaphore_mem>>) src(%dma_wait3A_90 : memref<8192x32xf32, #tpu.memory_space<hbm>>) dst(%dma_wait3A_84 : memref<128x32xf32, #tpu.memory_space<vmem>>)
    %dma_wait3A_91 = arith.constant 1 : i32
    %dma_wait3A_92 = arith.constant 128 : i32
    %dma_wait3A_93 = arith.constant 0 : i32
    %dma_wait3A_94 = tpu.memref_slice %arg6[%dma_wait3A_92, %dma_wait3A_93] : memref<1024x32xf32, #tpu.memory_space<vmem>> -> memref<128x32xf32, #tpu.memory_space<vmem>>
    %dma_wait3A_95 = arith.constant 0 : i32
    %dma_wait3A_96 = tpu.memref_slice %arg5[%dma_wait3A_91, %dma_wait3A_95] : memref<8x128xi32, #tpu.memory_space<vmem>> -> memref<1x128xi32, #tpu.memory_space<vmem>>
    %dma_wait3A_97 = tpu.memref_squeeze %dma_wait3A_96 : memref<1x128xi32, #tpu.memory_space<vmem>> -> memref<128xi32, #tpu.memory_space<vmem>>
    %dma_wait3A_98 = arith.constant 0 : i32
    %dma_wait3A_99 = arith.constant 0 : i32
    %dma_wait3A_100 = tpu.memref_slice %arg2[%dma_wait3A_98, %dma_wait3A_99] : memref<8192x32xf32, #tpu.memory_space<hbm>> -> memref<8192x32xf32, #tpu.memory_space<hbm>>
    tpu.wait_indirect_dma semaphore(%arg7 : memref<!tpu.dma_semaphore, #tpu.memory_space<semaphore_mem>>) src(%dma_wait3A_100 : memref<8192x32xf32, #tpu.memory_space<hbm>>) dst(%dma_wait3A_94 : memref<128x32xf32, #tpu.memory_space<vmem>>)
    %dma_wait3A_101 = arith.constant 2 : i32
    %dma_wait3A_102 = arith.constant 256 : i32
    %dma_wait3A_103 = arith.constant 0 : i32
    %dma_wait3A_104 = tpu.memref_slice %arg6[%dma_wait3A_102, %dma_wait3A_103] : memref<1024x32xf32, #tpu.memory_space<vmem>> -> memref<128x32xf32, #tpu.memory_space<vmem>>
    %dma_wait3A_105 = arith.constant 0 : i32
    %dma_wait3A_106 = tpu.memref_slice %arg5[%dma_wait3A_101, %dma_wait3A_105] : memref<8x128xi32, #tpu.memory_space<vmem>> -> memref<1x128xi32, #tpu.memory_space<vmem>>
    %dma_wait3A_107 = tpu.memref_squeeze %dma_wait3A_106 : memref<1x128xi32, #tpu.memory_space<vmem>> -> memref<128xi32, #tpu.memory_space<vmem>>
    %dma_wait3A_108 = arith.constant 0 : i32
    %dma_wait3A_109 = arith.constant 0 : i32
    %dma_wait3A_110 = tpu.memref_slice %arg2[%dma_wait3A_108, %dma_wait3A_109] : memref<8192x32xf32, #tpu.memory_space<hbm>> -> memref<8192x32xf32, #tpu.memory_space<hbm>>
    tpu.wait_indirect_dma semaphore(%arg7 : memref<!tpu.dma_semaphore, #tpu.memory_space<semaphore_mem>>) src(%dma_wait3A_110 : memref<8192x32xf32, #tpu.memory_space<hbm>>) dst(%dma_wait3A_104 : memref<128x32xf32, #tpu.memory_space<vmem>>)
    %dma_wait3A_111 = arith.constant 3 : i32
    %dma_wait3A_112 = arith.constant 384 : i32
    %dma_wait3A_113 = arith.constant 0 : i32
    %dma_wait3A_114 = tpu.memref_slice %arg6[%dma_wait3A_112, %dma_wait3A_113] : memref<1024x32xf32, #tpu.memory_space<vmem>> -> memref<128x32xf32, #tpu.memory_space<vmem>>
    %dma_wait3A_115 = arith.constant 0 : i32
    %dma_wait3A_116 = tpu.memref_slice %arg5[%dma_wait3A_111, %dma_wait3A_115] : memref<8x128xi32, #tpu.memory_space<vmem>> -> memref<1x128xi32, #tpu.memory_space<vmem>>
    %dma_wait3A_117 = tpu.memref_squeeze %dma_wait3A_116 : memref<1x128xi32, #tpu.memory_space<vmem>> -> memref<128xi32, #tpu.memory_space<vmem>>
    %dma_wait3A_118 = arith.constant 0 : i32
    %dma_wait3A_119 = arith.constant 0 : i32
    %dma_wait3A_120 = tpu.memref_slice %arg2[%dma_wait3A_118, %dma_wait3A_119] : memref<8192x32xf32, #tpu.memory_space<hbm>> -> memref<8192x32xf32, #tpu.memory_space<hbm>>
    tpu.wait_indirect_dma semaphore(%arg7 : memref<!tpu.dma_semaphore, #tpu.memory_space<semaphore_mem>>) src(%dma_wait3A_120 : memref<8192x32xf32, #tpu.memory_space<hbm>>) dst(%dma_wait3A_114 : memref<128x32xf32, #tpu.memory_space<vmem>>)
    %dma_wait3A_121 = arith.constant 4 : i32
    %dma_wait3A_122 = arith.constant 512 : i32
    %dma_wait3A_123 = arith.constant 0 : i32
    %dma_wait3A_124 = tpu.memref_slice %arg6[%dma_wait3A_122, %dma_wait3A_123] : memref<1024x32xf32, #tpu.memory_space<vmem>> -> memref<128x32xf32, #tpu.memory_space<vmem>>
    %dma_wait3A_125 = arith.constant 0 : i32
    %dma_wait3A_126 = tpu.memref_slice %arg5[%dma_wait3A_121, %dma_wait3A_125] : memref<8x128xi32, #tpu.memory_space<vmem>> -> memref<1x128xi32, #tpu.memory_space<vmem>>
    %dma_wait3A_127 = tpu.memref_squeeze %dma_wait3A_126 : memref<1x128xi32, #tpu.memory_space<vmem>> -> memref<128xi32, #tpu.memory_space<vmem>>
    %dma_wait3A_128 = arith.constant 0 : i32
    %dma_wait3A_129 = arith.constant 0 : i32
    %dma_wait3A_130 = tpu.memref_slice %arg2[%dma_wait3A_128, %dma_wait3A_129] : memref<8192x32xf32, #tpu.memory_space<hbm>> -> memref<8192x32xf32, #tpu.memory_space<hbm>>
    tpu.wait_indirect_dma semaphore(%arg7 : memref<!tpu.dma_semaphore, #tpu.memory_space<semaphore_mem>>) src(%dma_wait3A_130 : memref<8192x32xf32, #tpu.memory_space<hbm>>) dst(%dma_wait3A_124 : memref<128x32xf32, #tpu.memory_space<vmem>>)
    %dma_wait3A_131 = arith.constant 5 : i32
    %dma_wait3A_132 = arith.constant 640 : i32
    %dma_wait3A_133 = arith.constant 0 : i32
    %dma_wait3A_134 = tpu.memref_slice %arg6[%dma_wait3A_132, %dma_wait3A_133] : memref<1024x32xf32, #tpu.memory_space<vmem>> -> memref<128x32xf32, #tpu.memory_space<vmem>>
    %dma_wait3A_135 = arith.constant 0 : i32
    %dma_wait3A_136 = tpu.memref_slice %arg5[%dma_wait3A_131, %dma_wait3A_135] : memref<8x128xi32, #tpu.memory_space<vmem>> -> memref<1x128xi32, #tpu.memory_space<vmem>>
    %dma_wait3A_137 = tpu.memref_squeeze %dma_wait3A_136 : memref<1x128xi32, #tpu.memory_space<vmem>> -> memref<128xi32, #tpu.memory_space<vmem>>
    %dma_wait3A_138 = arith.constant 0 : i32
    %dma_wait3A_139 = arith.constant 0 : i32
    %dma_wait3A_140 = tpu.memref_slice %arg2[%dma_wait3A_138, %dma_wait3A_139] : memref<8192x32xf32, #tpu.memory_space<hbm>> -> memref<8192x32xf32, #tpu.memory_space<hbm>>
    tpu.wait_indirect_dma semaphore(%arg7 : memref<!tpu.dma_semaphore, #tpu.memory_space<semaphore_mem>>) src(%dma_wait3A_140 : memref<8192x32xf32, #tpu.memory_space<hbm>>) dst(%dma_wait3A_134 : memref<128x32xf32, #tpu.memory_space<vmem>>)
    %dma_wait3A_141 = arith.constant 6 : i32
    %dma_wait3A_142 = arith.constant 768 : i32
    %dma_wait3A_143 = arith.constant 0 : i32
    %dma_wait3A_144 = tpu.memref_slice %arg6[%dma_wait3A_142, %dma_wait3A_143] : memref<1024x32xf32, #tpu.memory_space<vmem>> -> memref<128x32xf32, #tpu.memory_space<vmem>>
    %dma_wait3A_145 = arith.constant 0 : i32
    %dma_wait3A_146 = tpu.memref_slice %arg5[%dma_wait3A_141, %dma_wait3A_145] : memref<8x128xi32, #tpu.memory_space<vmem>> -> memref<1x128xi32, #tpu.memory_space<vmem>>
    %dma_wait3A_147 = tpu.memref_squeeze %dma_wait3A_146 : memref<1x128xi32, #tpu.memory_space<vmem>> -> memref<128xi32, #tpu.memory_space<vmem>>
    %dma_wait3A_148 = arith.constant 0 : i32
    %dma_wait3A_149 = arith.constant 0 : i32
    %dma_wait3A_150 = tpu.memref_slice %arg2[%dma_wait3A_148, %dma_wait3A_149] : memref<8192x32xf32, #tpu.memory_space<hbm>> -> memref<8192x32xf32, #tpu.memory_space<hbm>>
    tpu.wait_indirect_dma semaphore(%arg7 : memref<!tpu.dma_semaphore, #tpu.memory_space<semaphore_mem>>) src(%dma_wait3A_150 : memref<8192x32xf32, #tpu.memory_space<hbm>>) dst(%dma_wait3A_144 : memref<128x32xf32, #tpu.memory_space<vmem>>)
    %dma_wait3A_151 = arith.constant 7 : i32
    %dma_wait3A_152 = arith.constant 896 : i32
    %dma_wait3A_153 = arith.constant 0 : i32
    %dma_wait3A_154 = tpu.memref_slice %arg6[%dma_wait3A_152, %dma_wait3A_153] : memref<1024x32xf32, #tpu.memory_space<vmem>> -> memref<128x32xf32, #tpu.memory_space<vmem>>
    %dma_wait3A_155 = arith.constant 0 : i32
    %dma_wait3A_156 = tpu.memref_slice %arg5[%dma_wait3A_151, %dma_wait3A_155] : memref<8x128xi32, #tpu.memory_space<vmem>> -> memref<1x128xi32, #tpu.memory_space<vmem>>
    %dma_wait3A_157 = tpu.memref_squeeze %dma_wait3A_156 : memref<1x128xi32, #tpu.memory_space<vmem>> -> memref<128xi32, #tpu.memory_space<vmem>>
    %dma_wait3A_158 = arith.constant 0 : i32
    %dma_wait3A_159 = arith.constant 0 : i32
    %dma_wait3A_160 = tpu.memref_slice %arg2[%dma_wait3A_158, %dma_wait3A_159] : memref<8192x32xf32, #tpu.memory_space<hbm>> -> memref<8192x32xf32, #tpu.memory_space<hbm>>
    tpu.wait_indirect_dma semaphore(%arg7 : memref<!tpu.dma_semaphore, #tpu.memory_space<semaphore_mem>>) src(%dma_wait3A_160 : memref<8192x32xf32, #tpu.memory_space<hbm>>) dst(%dma_wait3A_154 : memref<128x32xf32, #tpu.memory_space<vmem>>)
    "tpu.region"() ({
      %run_scoped3A = tpu.sem_alloc : memref<!tpu.dma_semaphore, #tpu.memory_space<semaphore_mem>>
      %dma_start3A_161 = arith.constant 0 : i32
      %dma_start3A_162 = tpu.memref_slice %arg4[%mul3A_2, %dma_start3A_161] : memref<32768x32xf32, #tpu.memory_space<hbm>> -> memref<1024x32xf32, #tpu.memory_space<hbm>>
      %dma_start3A_163 = arith.constant 0 : i32
      %dma_start3A_164 = tpu.memref_slice %arg4[%mul3A_2, %dma_start3A_163] : memref<32768x32xf32, #tpu.memory_space<hbm>> -> memref<1024x32xf32, #tpu.memory_space<hbm>>
      tpu.enqueue_dma source(%arg6 : memref<1024x32xf32, #tpu.memory_space<vmem>>) target(%dma_start3A_164 : memref<1024x32xf32, #tpu.memory_space<hbm>>) target_semaphore(%run_scoped3A : memref<!tpu.dma_semaphore, #tpu.memory_space<semaphore_mem>>)
      %dma_wait3A_165 = arith.constant 0 : i32
      %dma_wait3A_166 = tpu.memref_slice %arg4[%mul3A_2, %dma_wait3A_165] : memref<32768x32xf32, #tpu.memory_space<hbm>> -> memref<1024x32xf32, #tpu.memory_space<hbm>>
      %dma_wait3A_167 = arith.constant 0 : i32
      %dma_wait3A_168 = tpu.memref_slice %arg4[%mul3A_2, %dma_wait3A_167] : memref<32768x32xf32, #tpu.memory_space<hbm>> -> memref<1024x32xf32, #tpu.memory_space<hbm>>
      tpu.wait_dma2 semaphore(%run_scoped3A : memref<!tpu.dma_semaphore, #tpu.memory_space<semaphore_mem>>) src(%arg6 : memref<1024x32xf32, #tpu.memory_space<vmem>>) dst(%dma_wait3A_168 : memref<1024x32xf32, #tpu.memory_space<hbm>>)
      tpu.yield
    }) : () -> ()
    return
  }
}

module attributes {stable_mosaic.version = 14 : i64} {
  func.func @_vq_kernel(%arg0: i32, %arg1: memref<1x32x4096xf32, #tpu.memory_space<vmem>>, %arg2: memref<8192x32xf32, #tpu.memory_space<vmem>>, %arg3: memref<1x1x4096xi32, #tpu.memory_space<vmem>>, %arg4: memref<8192x32xf32, #tpu.memory_space<vmem>>) attributes {dimension_semantics = [#tpu.dimension_semantics<arbitrary>], iteration_bounds = array<i64: 8>, scalar_prefetch = 0 : i64, scratch_operands = 1 : i64, tpu.core_type = #tpu.core_type<tc>, window_params = [{transform_indices = @transform_0, window_bounds = array<i64: 1, 32, 4096>}, {pipeline_mode = #tpu.pipeline_mode<synchronous>, transform_indices = @transform_1, window_bounds = array<i64: 8192, 32>}, {transform_indices = @transform_2, window_bounds = array<i64: 1, 1, 4096>}]} {
    %eq3A = arith.constant 0 : i32
    %eq3A_0 = arith.cmpi eq, %arg0, %eq3A : i32
    %convert_element_type3A = arith.extui %eq3A_0 : i1 to i32
    %cond3A = arith.constant 0 : i32
    %cond3A_1 = arith.cmpi ne, %convert_element_type3A, %cond3A : i32
    scf.if %cond3A_1 {
      %get3A_244 = arith.constant 0 : index
      %get3A_245 = arith.constant 0 : index
      %get3A_246 = vector.load %arg2[%get3A_244, %get3A_245] : memref<8192x32xf32, #tpu.memory_space<vmem>>, vector<8192x32xf32>
      %mul3A_247 = arith.mulf %get3A_246, %get3A_246 : vector<8192x32xf32>
      %reduce_sum3A_248 = arith.constant dense<0.000000e+00> : vector<8192xf32>
      %reduce_sum3A_249 = vector.multi_reduction <add>, %mul3A_247, %reduce_sum3A_248 [1] : vector<8192x32xf32> to vector<8192xf32>
      %broadcast_in_dim3A_250 = vector.shape_cast %reduce_sum3A_249 : vector<8192xf32> to vector<8192x1xf32>
      %sqrt3A_251 = math.sqrt %broadcast_in_dim3A_250 : vector<8192x1xf32>
      %max3A_252 = arith.constant 9.99999996E-13 : f32
      %max3A_253 = vector.broadcast %max3A_252 : f32 to vector<8192x1xf32>
      %max3A_254 = arith.maximumf %sqrt3A_251, %max3A_253 : vector<8192x1xf32>
      %div3A_255 = vector.broadcast %max3A_254 : vector<8192x1xf32> to vector<8192x32xf32>
      %div3A_256 = arith.divf %get3A_246, %div3A_255 : vector<8192x32xf32>
      %swap3A_257 = arith.constant 0 : index
      %swap3A_258 = arith.constant 0 : index
      %swap3A_259 = vector.load %arg4[%swap3A_257, %swap3A_258] : memref<8192x32xf32, #tpu.memory_space<vmem>>, vector<8192x32xf32>
      tpu.vector_store %arg4[%swap3A_257, %swap3A_258], %div3A_256 {strides = array<i32>} : memref<8192x32xf32, #tpu.memory_space<vmem>>, vector<8192x32xf32>,
    } else {
    }
    %get3A = arith.constant 0 : index
    %get3A_2 = arith.constant 0 : index
    %get3A_3 = arith.constant 0 : index
    %get3A_4 = vector.load %arg1[%get3A, %get3A_2, %get3A_3] : memref<1x32x4096xf32, #tpu.memory_space<vmem>>, vector<1x32x4096xf32>
    %get3A_5 = vector.shape_cast %get3A_4 : vector<1x32x4096xf32> to vector<32x4096xf32>
    %get3A_6 = arith.constant 0 : index
    %get3A_7 = arith.constant 0 : index
    %get3A_8 = vector.load %arg4[%get3A_6, %get3A_7] : memref<8192x32xf32, #tpu.memory_space<vmem>>, vector<8192x32xf32>
    %slice3A = vector.extract_strided_slice %get3A_5 {offsets = [0, 0], sizes = [32, 256], strides = [1, 1]} : vector<32x4096xf32> to vector<32x256xf32>
    %transpose3A = tpu.transpose %slice3A, [1, 0] : vector<32x256xf32> -> vector<256x32xf32>
    %mul3A = arith.mulf %transpose3A, %transpose3A : vector<256x32xf32>
    %reduce_sum3A = arith.constant dense<0.000000e+00> : vector<256xf32>
    %reduce_sum3A_9 = vector.multi_reduction <add>, %mul3A, %reduce_sum3A [1] : vector<256x32xf32> to vector<256xf32>
    %broadcast_in_dim3A = vector.shape_cast %reduce_sum3A_9 : vector<256xf32> to vector<256x1xf32>
    %sqrt3A = math.sqrt %broadcast_in_dim3A : vector<256x1xf32>
    %max3A = arith.constant 9.99999996E-13 : f32
    %max3A_10 = vector.broadcast %max3A : f32 to vector<256x1xf32>
    %max3A_11 = arith.maximumf %sqrt3A, %max3A_10 : vector<256x1xf32>
    %div3A = vector.broadcast %max3A_11 : vector<256x1xf32> to vector<256x32xf32>
    %div3A_12 = arith.divf %transpose3A, %div3A : vector<256x32xf32>
    %dot_general3A = arith.constant dense<0.000000e+00> : vector<256x8192xf32>
    %dot_general3A_13 = tpu.matmul %div3A_12, %get3A_8, %dot_general3A {dimension_numbers = #tpu.dot_dimension_numbers<[1], [1], [0], [0], [0, 0, 1, 0], [], []>, transpose_lhs_hint = false} : vector<256x32xf32>, vector<8192x32xf32>, vector<256x8192xf32> -> vector<256x8192xf32>
    %argmax3A = tpu.reduce_index %dot_general3A_13 {axis = 1 : i32, kind = #tpu.reduction_kind<arg_max>} : vector<256x8192xf32> -> vector<256xi32>
    %slice3A_14 = vector.extract_strided_slice %get3A_5 {offsets = [0, 256], sizes = [32, 256], strides = [1, 1]} : vector<32x4096xf32> to vector<32x256xf32>
    %transpose3A_15 = tpu.transpose %slice3A_14, [1, 0] : vector<32x256xf32> -> vector<256x32xf32>
    %mul3A_16 = arith.mulf %transpose3A_15, %transpose3A_15 : vector<256x32xf32>
    %reduce_sum3A_17 = arith.constant dense<0.000000e+00> : vector<256xf32>
    %reduce_sum3A_18 = vector.multi_reduction <add>, %mul3A_16, %reduce_sum3A_17 [1] : vector<256x32xf32> to vector<256xf32>
    %broadcast_in_dim3A_19 = vector.shape_cast %reduce_sum3A_18 : vector<256xf32> to vector<256x1xf32>
    %sqrt3A_20 = math.sqrt %broadcast_in_dim3A_19 : vector<256x1xf32>
    %max3A_21 = arith.constant 9.99999996E-13 : f32
    %max3A_22 = vector.broadcast %max3A_21 : f32 to vector<256x1xf32>
    %max3A_23 = arith.maximumf %sqrt3A_20, %max3A_22 : vector<256x1xf32>
    %div3A_24 = vector.broadcast %max3A_23 : vector<256x1xf32> to vector<256x32xf32>
    %div3A_25 = arith.divf %transpose3A_15, %div3A_24 : vector<256x32xf32>
    %dot_general3A_26 = arith.constant dense<0.000000e+00> : vector<256x8192xf32>
    %dot_general3A_27 = tpu.matmul %div3A_25, %get3A_8, %dot_general3A_26 {dimension_numbers = #tpu.dot_dimension_numbers<[1], [1], [0], [0], [0, 0, 1, 0], [], []>, transpose_lhs_hint = false} : vector<256x32xf32>, vector<8192x32xf32>, vector<256x8192xf32> -> vector<256x8192xf32>
    %argmax3A_28 = tpu.reduce_index %dot_general3A_27 {axis = 1 : i32, kind = #tpu.reduction_kind<arg_max>} : vector<256x8192xf32> -> vector<256xi32>
    %slice3A_29 = vector.extract_strided_slice %get3A_5 {offsets = [0, 512], sizes = [32, 256], strides = [1, 1]} : vector<32x4096xf32> to vector<32x256xf32>
    %transpose3A_30 = tpu.transpose %slice3A_29, [1, 0] : vector<32x256xf32> -> vector<256x32xf32>
    %mul3A_31 = arith.mulf %transpose3A_30, %transpose3A_30 : vector<256x32xf32>
    %reduce_sum3A_32 = arith.constant dense<0.000000e+00> : vector<256xf32>
    %reduce_sum3A_33 = vector.multi_reduction <add>, %mul3A_31, %reduce_sum3A_32 [1] : vector<256x32xf32> to vector<256xf32>
    %broadcast_in_dim3A_34 = vector.shape_cast %reduce_sum3A_33 : vector<256xf32> to vector<256x1xf32>
    %sqrt3A_35 = math.sqrt %broadcast_in_dim3A_34 : vector<256x1xf32>
    %max3A_36 = arith.constant 9.99999996E-13 : f32
    %max3A_37 = vector.broadcast %max3A_36 : f32 to vector<256x1xf32>
    %max3A_38 = arith.maximumf %sqrt3A_35, %max3A_37 : vector<256x1xf32>
    %div3A_39 = vector.broadcast %max3A_38 : vector<256x1xf32> to vector<256x32xf32>
    %div3A_40 = arith.divf %transpose3A_30, %div3A_39 : vector<256x32xf32>
    %dot_general3A_41 = arith.constant dense<0.000000e+00> : vector<256x8192xf32>
    %dot_general3A_42 = tpu.matmul %div3A_40, %get3A_8, %dot_general3A_41 {dimension_numbers = #tpu.dot_dimension_numbers<[1], [1], [0], [0], [0, 0, 1, 0], [], []>, transpose_lhs_hint = false} : vector<256x32xf32>, vector<8192x32xf32>, vector<256x8192xf32> -> vector<256x8192xf32>
    %argmax3A_43 = tpu.reduce_index %dot_general3A_42 {axis = 1 : i32, kind = #tpu.reduction_kind<arg_max>} : vector<256x8192xf32> -> vector<256xi32>
    %slice3A_44 = vector.extract_strided_slice %get3A_5 {offsets = [0, 768], sizes = [32, 256], strides = [1, 1]} : vector<32x4096xf32> to vector<32x256xf32>
    %transpose3A_45 = tpu.transpose %slice3A_44, [1, 0] : vector<32x256xf32> -> vector<256x32xf32>
    %mul3A_46 = arith.mulf %transpose3A_45, %transpose3A_45 : vector<256x32xf32>
    %reduce_sum3A_47 = arith.constant dense<0.000000e+00> : vector<256xf32>
    %reduce_sum3A_48 = vector.multi_reduction <add>, %mul3A_46, %reduce_sum3A_47 [1] : vector<256x32xf32> to vector<256xf32>
    %broadcast_in_dim3A_49 = vector.shape_cast %reduce_sum3A_48 : vector<256xf32> to vector<256x1xf32>
    %sqrt3A_50 = math.sqrt %broadcast_in_dim3A_49 : vector<256x1xf32>
    %max3A_51 = arith.constant 9.99999996E-13 : f32
    %max3A_52 = vector.broadcast %max3A_51 : f32 to vector<256x1xf32>
    %max3A_53 = arith.maximumf %sqrt3A_50, %max3A_52 : vector<256x1xf32>
    %div3A_54 = vector.broadcast %max3A_53 : vector<256x1xf32> to vector<256x32xf32>
    %div3A_55 = arith.divf %transpose3A_45, %div3A_54 : vector<256x32xf32>
    %dot_general3A_56 = arith.constant dense<0.000000e+00> : vector<256x8192xf32>
    %dot_general3A_57 = tpu.matmul %div3A_55, %get3A_8, %dot_general3A_56 {dimension_numbers = #tpu.dot_dimension_numbers<[1], [1], [0], [0], [0, 0, 1, 0], [], []>, transpose_lhs_hint = false} : vector<256x32xf32>, vector<8192x32xf32>, vector<256x8192xf32> -> vector<256x8192xf32>
    %argmax3A_58 = tpu.reduce_index %dot_general3A_57 {axis = 1 : i32, kind = #tpu.reduction_kind<arg_max>} : vector<256x8192xf32> -> vector<256xi32>
    %slice3A_59 = vector.extract_strided_slice %get3A_5 {offsets = [0, 1024], sizes = [32, 256], strides = [1, 1]} : vector<32x4096xf32> to vector<32x256xf32>
    %transpose3A_60 = tpu.transpose %slice3A_59, [1, 0] : vector<32x256xf32> -> vector<256x32xf32>
    %mul3A_61 = arith.mulf %transpose3A_60, %transpose3A_60 : vector<256x32xf32>
    %reduce_sum3A_62 = arith.constant dense<0.000000e+00> : vector<256xf32>
    %reduce_sum3A_63 = vector.multi_reduction <add>, %mul3A_61, %reduce_sum3A_62 [1] : vector<256x32xf32> to vector<256xf32>
    %broadcast_in_dim3A_64 = vector.shape_cast %reduce_sum3A_63 : vector<256xf32> to vector<256x1xf32>
    %sqrt3A_65 = math.sqrt %broadcast_in_dim3A_64 : vector<256x1xf32>
    %max3A_66 = arith.constant 9.99999996E-13 : f32
    %max3A_67 = vector.broadcast %max3A_66 : f32 to vector<256x1xf32>
    %max3A_68 = arith.maximumf %sqrt3A_65, %max3A_67 : vector<256x1xf32>
    %div3A_69 = vector.broadcast %max3A_68 : vector<256x1xf32> to vector<256x32xf32>
    %div3A_70 = arith.divf %transpose3A_60, %div3A_69 : vector<256x32xf32>
    %dot_general3A_71 = arith.constant dense<0.000000e+00> : vector<256x8192xf32>
    %dot_general3A_72 = tpu.matmul %div3A_70, %get3A_8, %dot_general3A_71 {dimension_numbers = #tpu.dot_dimension_numbers<[1], [1], [0], [0], [0, 0, 1, 0], [], []>, transpose_lhs_hint = false} : vector<256x32xf32>, vector<8192x32xf32>, vector<256x8192xf32> -> vector<256x8192xf32>
    %argmax3A_73 = tpu.reduce_index %dot_general3A_72 {axis = 1 : i32, kind = #tpu.reduction_kind<arg_max>} : vector<256x8192xf32> -> vector<256xi32>
    %slice3A_74 = vector.extract_strided_slice %get3A_5 {offsets = [0, 1280], sizes = [32, 256], strides = [1, 1]} : vector<32x4096xf32> to vector<32x256xf32>
    %transpose3A_75 = tpu.transpose %slice3A_74, [1, 0] : vector<32x256xf32> -> vector<256x32xf32>
    %mul3A_76 = arith.mulf %transpose3A_75, %transpose3A_75 : vector<256x32xf32>
    %reduce_sum3A_77 = arith.constant dense<0.000000e+00> : vector<256xf32>
    %reduce_sum3A_78 = vector.multi_reduction <add>, %mul3A_76, %reduce_sum3A_77 [1] : vector<256x32xf32> to vector<256xf32>
    %broadcast_in_dim3A_79 = vector.shape_cast %reduce_sum3A_78 : vector<256xf32> to vector<256x1xf32>
    %sqrt3A_80 = math.sqrt %broadcast_in_dim3A_79 : vector<256x1xf32>
    %max3A_81 = arith.constant 9.99999996E-13 : f32
    %max3A_82 = vector.broadcast %max3A_81 : f32 to vector<256x1xf32>
    %max3A_83 = arith.maximumf %sqrt3A_80, %max3A_82 : vector<256x1xf32>
    %div3A_84 = vector.broadcast %max3A_83 : vector<256x1xf32> to vector<256x32xf32>
    %div3A_85 = arith.divf %transpose3A_75, %div3A_84 : vector<256x32xf32>
    %dot_general3A_86 = arith.constant dense<0.000000e+00> : vector<256x8192xf32>
    %dot_general3A_87 = tpu.matmul %div3A_85, %get3A_8, %dot_general3A_86 {dimension_numbers = #tpu.dot_dimension_numbers<[1], [1], [0], [0], [0, 0, 1, 0], [], []>, transpose_lhs_hint = false} : vector<256x32xf32>, vector<8192x32xf32>, vector<256x8192xf32> -> vector<256x8192xf32>
    %argmax3A_88 = tpu.reduce_index %dot_general3A_87 {axis = 1 : i32, kind = #tpu.reduction_kind<arg_max>} : vector<256x8192xf32> -> vector<256xi32>
    %slice3A_89 = vector.extract_strided_slice %get3A_5 {offsets = [0, 1536], sizes = [32, 256], strides = [1, 1]} : vector<32x4096xf32> to vector<32x256xf32>
    %transpose3A_90 = tpu.transpose %slice3A_89, [1, 0] : vector<32x256xf32> -> vector<256x32xf32>
    %mul3A_91 = arith.mulf %transpose3A_90, %transpose3A_90 : vector<256x32xf32>
    %reduce_sum3A_92 = arith.constant dense<0.000000e+00> : vector<256xf32>
    %reduce_sum3A_93 = vector.multi_reduction <add>, %mul3A_91, %reduce_sum3A_92 [1] : vector<256x32xf32> to vector<256xf32>
    %broadcast_in_dim3A_94 = vector.shape_cast %reduce_sum3A_93 : vector<256xf32> to vector<256x1xf32>
    %sqrt3A_95 = math.sqrt %broadcast_in_dim3A_94 : vector<256x1xf32>
    %max3A_96 = arith.constant 9.99999996E-13 : f32
    %max3A_97 = vector.broadcast %max3A_96 : f32 to vector<256x1xf32>
    %max3A_98 = arith.maximumf %sqrt3A_95, %max3A_97 : vector<256x1xf32>
    %div3A_99 = vector.broadcast %max3A_98 : vector<256x1xf32> to vector<256x32xf32>
    %div3A_100 = arith.divf %transpose3A_90, %div3A_99 : vector<256x32xf32>
    %dot_general3A_101 = arith.constant dense<0.000000e+00> : vector<256x8192xf32>
    %dot_general3A_102 = tpu.matmul %div3A_100, %get3A_8, %dot_general3A_101 {dimension_numbers = #tpu.dot_dimension_numbers<[1], [1], [0], [0], [0, 0, 1, 0], [], []>, transpose_lhs_hint = false} : vector<256x32xf32>, vector<8192x32xf32>, vector<256x8192xf32> -> vector<256x8192xf32>
    %argmax3A_103 = tpu.reduce_index %dot_general3A_102 {axis = 1 : i32, kind = #tpu.reduction_kind<arg_max>} : vector<256x8192xf32> -> vector<256xi32>
    %slice3A_104 = vector.extract_strided_slice %get3A_5 {offsets = [0, 1792], sizes = [32, 256], strides = [1, 1]} : vector<32x4096xf32> to vector<32x256xf32>
    %transpose3A_105 = tpu.transpose %slice3A_104, [1, 0] : vector<32x256xf32> -> vector<256x32xf32>
    %mul3A_106 = arith.mulf %transpose3A_105, %transpose3A_105 : vector<256x32xf32>
    %reduce_sum3A_107 = arith.constant dense<0.000000e+00> : vector<256xf32>
    %reduce_sum3A_108 = vector.multi_reduction <add>, %mul3A_106, %reduce_sum3A_107 [1] : vector<256x32xf32> to vector<256xf32>
    %broadcast_in_dim3A_109 = vector.shape_cast %reduce_sum3A_108 : vector<256xf32> to vector<256x1xf32>
    %sqrt3A_110 = math.sqrt %broadcast_in_dim3A_109 : vector<256x1xf32>
    %max3A_111 = arith.constant 9.99999996E-13 : f32
    %max3A_112 = vector.broadcast %max3A_111 : f32 to vector<256x1xf32>
    %max3A_113 = arith.maximumf %sqrt3A_110, %max3A_112 : vector<256x1xf32>
    %div3A_114 = vector.broadcast %max3A_113 : vector<256x1xf32> to vector<256x32xf32>
    %div3A_115 = arith.divf %transpose3A_105, %div3A_114 : vector<256x32xf32>
    %dot_general3A_116 = arith.constant dense<0.000000e+00> : vector<256x8192xf32>
    %dot_general3A_117 = tpu.matmul %div3A_115, %get3A_8, %dot_general3A_116 {dimension_numbers = #tpu.dot_dimension_numbers<[1], [1], [0], [0], [0, 0, 1, 0], [], []>, transpose_lhs_hint = false} : vector<256x32xf32>, vector<8192x32xf32>, vector<256x8192xf32> -> vector<256x8192xf32>
    %argmax3A_118 = tpu.reduce_index %dot_general3A_117 {axis = 1 : i32, kind = #tpu.reduction_kind<arg_max>} : vector<256x8192xf32> -> vector<256xi32>
    %slice3A_119 = vector.extract_strided_slice %get3A_5 {offsets = [0, 2048], sizes = [32, 256], strides = [1, 1]} : vector<32x4096xf32> to vector<32x256xf32>
    %transpose3A_120 = tpu.transpose %slice3A_119, [1, 0] : vector<32x256xf32> -> vector<256x32xf32>
    %mul3A_121 = arith.mulf %transpose3A_120, %transpose3A_120 : vector<256x32xf32>
    %reduce_sum3A_122 = arith.constant dense<0.000000e+00> : vector<256xf32>
    %reduce_sum3A_123 = vector.multi_reduction <add>, %mul3A_121, %reduce_sum3A_122 [1] : vector<256x32xf32> to vector<256xf32>
    %broadcast_in_dim3A_124 = vector.shape_cast %reduce_sum3A_123 : vector<256xf32> to vector<256x1xf32>
    %sqrt3A_125 = math.sqrt %broadcast_in_dim3A_124 : vector<256x1xf32>
    %max3A_126 = arith.constant 9.99999996E-13 : f32
    %max3A_127 = vector.broadcast %max3A_126 : f32 to vector<256x1xf32>
    %max3A_128 = arith.maximumf %sqrt3A_125, %max3A_127 : vector<256x1xf32>
    %div3A_129 = vector.broadcast %max3A_128 : vector<256x1xf32> to vector<256x32xf32>
    %div3A_130 = arith.divf %transpose3A_120, %div3A_129 : vector<256x32xf32>
    %dot_general3A_131 = arith.constant dense<0.000000e+00> : vector<256x8192xf32>
    %dot_general3A_132 = tpu.matmul %div3A_130, %get3A_8, %dot_general3A_131 {dimension_numbers = #tpu.dot_dimension_numbers<[1], [1], [0], [0], [0, 0, 1, 0], [], []>, transpose_lhs_hint = false} : vector<256x32xf32>, vector<8192x32xf32>, vector<256x8192xf32> -> vector<256x8192xf32>
    %argmax3A_133 = tpu.reduce_index %dot_general3A_132 {axis = 1 : i32, kind = #tpu.reduction_kind<arg_max>} : vector<256x8192xf32> -> vector<256xi32>
    %slice3A_134 = vector.extract_strided_slice %get3A_5 {offsets = [0, 2304], sizes = [32, 256], strides = [1, 1]} : vector<32x4096xf32> to vector<32x256xf32>
    %transpose3A_135 = tpu.transpose %slice3A_134, [1, 0] : vector<32x256xf32> -> vector<256x32xf32>
    %mul3A_136 = arith.mulf %transpose3A_135, %transpose3A_135 : vector<256x32xf32>
    %reduce_sum3A_137 = arith.constant dense<0.000000e+00> : vector<256xf32>
    %reduce_sum3A_138 = vector.multi_reduction <add>, %mul3A_136, %reduce_sum3A_137 [1] : vector<256x32xf32> to vector<256xf32>
    %broadcast_in_dim3A_139 = vector.shape_cast %reduce_sum3A_138 : vector<256xf32> to vector<256x1xf32>
    %sqrt3A_140 = math.sqrt %broadcast_in_dim3A_139 : vector<256x1xf32>
    %max3A_141 = arith.constant 9.99999996E-13 : f32
    %max3A_142 = vector.broadcast %max3A_141 : f32 to vector<256x1xf32>
    %max3A_143 = arith.maximumf %sqrt3A_140, %max3A_142 : vector<256x1xf32>
    %div3A_144 = vector.broadcast %max3A_143 : vector<256x1xf32> to vector<256x32xf32>
    %div3A_145 = arith.divf %transpose3A_135, %div3A_144 : vector<256x32xf32>
    %dot_general3A_146 = arith.constant dense<0.000000e+00> : vector<256x8192xf32>
    %dot_general3A_147 = tpu.matmul %div3A_145, %get3A_8, %dot_general3A_146 {dimension_numbers = #tpu.dot_dimension_numbers<[1], [1], [0], [0], [0, 0, 1, 0], [], []>, transpose_lhs_hint = false} : vector<256x32xf32>, vector<8192x32xf32>, vector<256x8192xf32> -> vector<256x8192xf32>
    %argmax3A_148 = tpu.reduce_index %dot_general3A_147 {axis = 1 : i32, kind = #tpu.reduction_kind<arg_max>} : vector<256x8192xf32> -> vector<256xi32>
    %slice3A_149 = vector.extract_strided_slice %get3A_5 {offsets = [0, 2560], sizes = [32, 256], strides = [1, 1]} : vector<32x4096xf32> to vector<32x256xf32>
    %transpose3A_150 = tpu.transpose %slice3A_149, [1, 0] : vector<32x256xf32> -> vector<256x32xf32>
    %mul3A_151 = arith.mulf %transpose3A_150, %transpose3A_150 : vector<256x32xf32>
    %reduce_sum3A_152 = arith.constant dense<0.000000e+00> : vector<256xf32>
    %reduce_sum3A_153 = vector.multi_reduction <add>, %mul3A_151, %reduce_sum3A_152 [1] : vector<256x32xf32> to vector<256xf32>
    %broadcast_in_dim3A_154 = vector.shape_cast %reduce_sum3A_153 : vector<256xf32> to vector<256x1xf32>
    %sqrt3A_155 = math.sqrt %broadcast_in_dim3A_154 : vector<256x1xf32>
    %max3A_156 = arith.constant 9.99999996E-13 : f32
    %max3A_157 = vector.broadcast %max3A_156 : f32 to vector<256x1xf32>
    %max3A_158 = arith.maximumf %sqrt3A_155, %max3A_157 : vector<256x1xf32>
    %div3A_159 = vector.broadcast %max3A_158 : vector<256x1xf32> to vector<256x32xf32>
    %div3A_160 = arith.divf %transpose3A_150, %div3A_159 : vector<256x32xf32>
    %dot_general3A_161 = arith.constant dense<0.000000e+00> : vector<256x8192xf32>
    %dot_general3A_162 = tpu.matmul %div3A_160, %get3A_8, %dot_general3A_161 {dimension_numbers = #tpu.dot_dimension_numbers<[1], [1], [0], [0], [0, 0, 1, 0], [], []>, transpose_lhs_hint = false} : vector<256x32xf32>, vector<8192x32xf32>, vector<256x8192xf32> -> vector<256x8192xf32>
    %argmax3A_163 = tpu.reduce_index %dot_general3A_162 {axis = 1 : i32, kind = #tpu.reduction_kind<arg_max>} : vector<256x8192xf32> -> vector<256xi32>
    %slice3A_164 = vector.extract_strided_slice %get3A_5 {offsets = [0, 2816], sizes = [32, 256], strides = [1, 1]} : vector<32x4096xf32> to vector<32x256xf32>
    %transpose3A_165 = tpu.transpose %slice3A_164, [1, 0] : vector<32x256xf32> -> vector<256x32xf32>
    %mul3A_166 = arith.mulf %transpose3A_165, %transpose3A_165 : vector<256x32xf32>
    %reduce_sum3A_167 = arith.constant dense<0.000000e+00> : vector<256xf32>
    %reduce_sum3A_168 = vector.multi_reduction <add>, %mul3A_166, %reduce_sum3A_167 [1] : vector<256x32xf32> to vector<256xf32>
    %broadcast_in_dim3A_169 = vector.shape_cast %reduce_sum3A_168 : vector<256xf32> to vector<256x1xf32>
    %sqrt3A_170 = math.sqrt %broadcast_in_dim3A_169 : vector<256x1xf32>
    %max3A_171 = arith.constant 9.99999996E-13 : f32
    %max3A_172 = vector.broadcast %max3A_171 : f32 to vector<256x1xf32>
    %max3A_173 = arith.maximumf %sqrt3A_170, %max3A_172 : vector<256x1xf32>
    %div3A_174 = vector.broadcast %max3A_173 : vector<256x1xf32> to vector<256x32xf32>
    %div3A_175 = arith.divf %transpose3A_165, %div3A_174 : vector<256x32xf32>
    %dot_general3A_176 = arith.constant dense<0.000000e+00> : vector<256x8192xf32>
    %dot_general3A_177 = tpu.matmul %div3A_175, %get3A_8, %dot_general3A_176 {dimension_numbers = #tpu.dot_dimension_numbers<[1], [1], [0], [0], [0, 0, 1, 0], [], []>, transpose_lhs_hint = false} : vector<256x32xf32>, vector<8192x32xf32>, vector<256x8192xf32> -> vector<256x8192xf32>
    %argmax3A_178 = tpu.reduce_index %dot_general3A_177 {axis = 1 : i32, kind = #tpu.reduction_kind<arg_max>} : vector<256x8192xf32> -> vector<256xi32>
    %slice3A_179 = vector.extract_strided_slice %get3A_5 {offsets = [0, 3072], sizes = [32, 256], strides = [1, 1]} : vector<32x4096xf32> to vector<32x256xf32>
    %transpose3A_180 = tpu.transpose %slice3A_179, [1, 0] : vector<32x256xf32> -> vector<256x32xf32>
    %mul3A_181 = arith.mulf %transpose3A_180, %transpose3A_180 : vector<256x32xf32>
    %reduce_sum3A_182 = arith.constant dense<0.000000e+00> : vector<256xf32>
    %reduce_sum3A_183 = vector.multi_reduction <add>, %mul3A_181, %reduce_sum3A_182 [1] : vector<256x32xf32> to vector<256xf32>
    %broadcast_in_dim3A_184 = vector.shape_cast %reduce_sum3A_183 : vector<256xf32> to vector<256x1xf32>
    %sqrt3A_185 = math.sqrt %broadcast_in_dim3A_184 : vector<256x1xf32>
    %max3A_186 = arith.constant 9.99999996E-13 : f32
    %max3A_187 = vector.broadcast %max3A_186 : f32 to vector<256x1xf32>
    %max3A_188 = arith.maximumf %sqrt3A_185, %max3A_187 : vector<256x1xf32>
    %div3A_189 = vector.broadcast %max3A_188 : vector<256x1xf32> to vector<256x32xf32>
    %div3A_190 = arith.divf %transpose3A_180, %div3A_189 : vector<256x32xf32>
    %dot_general3A_191 = arith.constant dense<0.000000e+00> : vector<256x8192xf32>
    %dot_general3A_192 = tpu.matmul %div3A_190, %get3A_8, %dot_general3A_191 {dimension_numbers = #tpu.dot_dimension_numbers<[1], [1], [0], [0], [0, 0, 1, 0], [], []>, transpose_lhs_hint = false} : vector<256x32xf32>, vector<8192x32xf32>, vector<256x8192xf32> -> vector<256x8192xf32>
    %argmax3A_193 = tpu.reduce_index %dot_general3A_192 {axis = 1 : i32, kind = #tpu.reduction_kind<arg_max>} : vector<256x8192xf32> -> vector<256xi32>
    %slice3A_194 = vector.extract_strided_slice %get3A_5 {offsets = [0, 3328], sizes = [32, 256], strides = [1, 1]} : vector<32x4096xf32> to vector<32x256xf32>
    %transpose3A_195 = tpu.transpose %slice3A_194, [1, 0] : vector<32x256xf32> -> vector<256x32xf32>
    %mul3A_196 = arith.mulf %transpose3A_195, %transpose3A_195 : vector<256x32xf32>
    %reduce_sum3A_197 = arith.constant dense<0.000000e+00> : vector<256xf32>
    %reduce_sum3A_198 = vector.multi_reduction <add>, %mul3A_196, %reduce_sum3A_197 [1] : vector<256x32xf32> to vector<256xf32>
    %broadcast_in_dim3A_199 = vector.shape_cast %reduce_sum3A_198 : vector<256xf32> to vector<256x1xf32>
    %sqrt3A_200 = math.sqrt %broadcast_in_dim3A_199 : vector<256x1xf32>
    %max3A_201 = arith.constant 9.99999996E-13 : f32
    %max3A_202 = vector.broadcast %max3A_201 : f32 to vector<256x1xf32>
    %max3A_203 = arith.maximumf %sqrt3A_200, %max3A_202 : vector<256x1xf32>
    %div3A_204 = vector.broadcast %max3A_203 : vector<256x1xf32> to vector<256x32xf32>
    %div3A_205 = arith.divf %transpose3A_195, %div3A_204 : vector<256x32xf32>
    %dot_general3A_206 = arith.constant dense<0.000000e+00> : vector<256x8192xf32>
    %dot_general3A_207 = tpu.matmul %div3A_205, %get3A_8, %dot_general3A_206 {dimension_numbers = #tpu.dot_dimension_numbers<[1], [1], [0], [0], [0, 0, 1, 0], [], []>, transpose_lhs_hint = false} : vector<256x32xf32>, vector<8192x32xf32>, vector<256x8192xf32> -> vector<256x8192xf32>
    %argmax3A_208 = tpu.reduce_index %dot_general3A_207 {axis = 1 : i32, kind = #tpu.reduction_kind<arg_max>} : vector<256x8192xf32> -> vector<256xi32>
    %slice3A_209 = vector.extract_strided_slice %get3A_5 {offsets = [0, 3584], sizes = [32, 256], strides = [1, 1]} : vector<32x4096xf32> to vector<32x256xf32>
    %transpose3A_210 = tpu.transpose %slice3A_209, [1, 0] : vector<32x256xf32> -> vector<256x32xf32>
    %mul3A_211 = arith.mulf %transpose3A_210, %transpose3A_210 : vector<256x32xf32>
    %reduce_sum3A_212 = arith.constant dense<0.000000e+00> : vector<256xf32>
    %reduce_sum3A_213 = vector.multi_reduction <add>, %mul3A_211, %reduce_sum3A_212 [1] : vector<256x32xf32> to vector<256xf32>
    %broadcast_in_dim3A_214 = vector.shape_cast %reduce_sum3A_213 : vector<256xf32> to vector<256x1xf32>
    %sqrt3A_215 = math.sqrt %broadcast_in_dim3A_214 : vector<256x1xf32>
    %max3A_216 = arith.constant 9.99999996E-13 : f32
    %max3A_217 = vector.broadcast %max3A_216 : f32 to vector<256x1xf32>
    %max3A_218 = arith.maximumf %sqrt3A_215, %max3A_217 : vector<256x1xf32>
    %div3A_219 = vector.broadcast %max3A_218 : vector<256x1xf32> to vector<256x32xf32>
    %div3A_220 = arith.divf %transpose3A_210, %div3A_219 : vector<256x32xf32>
    %dot_general3A_221 = arith.constant dense<0.000000e+00> : vector<256x8192xf32>
    %dot_general3A_222 = tpu.matmul %div3A_220, %get3A_8, %dot_general3A_221 {dimension_numbers = #tpu.dot_dimension_numbers<[1], [1], [0], [0], [0, 0, 1, 0], [], []>, transpose_lhs_hint = false} : vector<256x32xf32>, vector<8192x32xf32>, vector<256x8192xf32> -> vector<256x8192xf32>
    %argmax3A_223 = tpu.reduce_index %dot_general3A_222 {axis = 1 : i32, kind = #tpu.reduction_kind<arg_max>} : vector<256x8192xf32> -> vector<256xi32>
    %slice3A_224 = vector.extract_strided_slice %get3A_5 {offsets = [0, 3840], sizes = [32, 256], strides = [1, 1]} : vector<32x4096xf32> to vector<32x256xf32>
    %transpose3A_225 = tpu.transpose %slice3A_224, [1, 0] : vector<32x256xf32> -> vector<256x32xf32>
    %mul3A_226 = arith.mulf %transpose3A_225, %transpose3A_225 : vector<256x32xf32>
    %reduce_sum3A_227 = arith.constant dense<0.000000e+00> : vector<256xf32>
    %reduce_sum3A_228 = vector.multi_reduction <add>, %mul3A_226, %reduce_sum3A_227 [1] : vector<256x32xf32> to vector<256xf32>
    %broadcast_in_dim3A_229 = vector.shape_cast %reduce_sum3A_228 : vector<256xf32> to vector<256x1xf32>
    %sqrt3A_230 = math.sqrt %broadcast_in_dim3A_229 : vector<256x1xf32>
    %max3A_231 = arith.constant 9.99999996E-13 : f32
    %max3A_232 = vector.broadcast %max3A_231 : f32 to vector<256x1xf32>
    %max3A_233 = arith.maximumf %sqrt3A_230, %max3A_232 : vector<256x1xf32>
    %div3A_234 = vector.broadcast %max3A_233 : vector<256x1xf32> to vector<256x32xf32>
    %div3A_235 = arith.divf %transpose3A_225, %div3A_234 : vector<256x32xf32>
    %dot_general3A_236 = arith.constant dense<0.000000e+00> : vector<256x8192xf32>
    %dot_general3A_237 = tpu.matmul %div3A_235, %get3A_8, %dot_general3A_236 {dimension_numbers = #tpu.dot_dimension_numbers<[1], [1], [0], [0], [0, 0, 1, 0], [], []>, transpose_lhs_hint = false} : vector<256x32xf32>, vector<8192x32xf32>, vector<256x8192xf32> -> vector<256x8192xf32>
    %argmax3A_238 = tpu.reduce_index %dot_general3A_237 {axis = 1 : i32, kind = #tpu.reduction_kind<arg_max>} : vector<256x8192xf32> -> vector<256xi32>
    %concatenate3A = tpu.concatenate %argmax3A, %argmax3A_28, %argmax3A_43, %argmax3A_58, %argmax3A_73, %argmax3A_88, %argmax3A_103, %argmax3A_118, %argmax3A_133, %argmax3A_148, %argmax3A_163, %argmax3A_178, %argmax3A_193, %argmax3A_208, %argmax3A_223, %argmax3A_238 in 0 : vector<256xi32>, vector<256xi32>, vector<256xi32>, vector<256xi32>, vector<256xi32>, vector<256xi32>, vector<256xi32>, vector<256xi32>, vector<256xi32>, vector<256xi32>, vector<256xi32>, vector<256xi32>, vector<256xi32>, vector<256xi32>, vector<256xi32>, vector<256xi32> -> vector<4096xi32>
    %swap3A = arith.constant 0 : index
    %swap3A_239 = arith.constant 0 : index
    %swap3A_240 = arith.constant 0 : index
    %swap3A_241 = vector.load %arg3[%swap3A, %swap3A_239, %swap3A_240] : memref<1x1x4096xi32, #tpu.memory_space<vmem>>, vector<1x1x4096xi32>
    %swap3A_242 = vector.shape_cast %swap3A_241 : vector<1x1x4096xi32> to vector<4096xi32>
    %swap3A_243 = vector.shape_cast %concatenate3A : vector<4096xi32> to vector<1x1x4096xi32>
    tpu.vector_store %arg3[%swap3A, %swap3A_239, %swap3A_240], %swap3A_243 {strides = array<i32>} : memref<1x1x4096xi32, #tpu.memory_space<vmem>>, vector<1x1x4096xi32>,
    return
  }
  func.func @transform_0(%arg0: i32) -> (i32, i32, i32) {
    %jit3A = arith.constant 1 : i32
    %div3A = arith.divsi %arg0, %jit3A : i32
    %sign3A = arith.constant 0 : i32
    %sign3A_0 = arith.cmpi sgt, %arg0, %sign3A : i32
    %sign3A_1 = arith.extui %sign3A_0 : i1 to i32
    %sign3A_2 = arith.constant 0 : i32
    %sign3A_3 = arith.cmpi slt, %arg0, %sign3A_2 : i32
    %sign3A_4 = arith.extui %sign3A_3 : i1 to i32
    %sign3A_5 = arith.subi %sign3A_1, %sign3A_4 : i32
    %sign3A_6 = arith.constant 0 : i32
    %sign3A_7 = arith.cmpi sgt, %jit3A, %sign3A_6 : i32
    %sign3A_8 = arith.extui %sign3A_7 : i1 to i32
    %sign3A_9 = arith.constant 0 : i32
    %sign3A_10 = arith.cmpi slt, %jit3A, %sign3A_9 : i32
    %sign3A_11 = arith.extui %sign3A_10 : i1 to i32
    %sign3A_12 = arith.subi %sign3A_8, %sign3A_11 : i32
    %ne3A = arith.cmpi ne, %sign3A_5, %sign3A_12 : i32
    %rem3A = arith.remsi %arg0, %jit3A : i32
    %ne3A_13 = arith.constant 0 : i32
    %ne3A_14 = arith.cmpi ne, %rem3A, %ne3A_13 : i32
    %and3A = arith.andi %ne3A, %ne3A_14 : i1
    %sub3A = arith.constant 1 : i32
    %sub3A_15 = arith.subi %div3A, %sub3A : i32
    %select_n3A = arith.select %and3A, %sub3A_15, %div3A : i32
    %jit3A_16 = arith.constant 1 : i32
    %eq3A = arith.constant 0 : i32
    %eq3A_17 = arith.cmpi eq, %jit3A_16, %eq3A : i32
    %jit3A_18 = arith.constant 1 : i32
    %select_n3A_19 = arith.select %eq3A_17, %jit3A_18, %jit3A_16 : i32
    %rem3A_20 = arith.remsi %arg0, %select_n3A_19 : i32
    %ne3A_21 = arith.constant 0 : i32
    %ne3A_22 = arith.cmpi ne, %rem3A_20, %ne3A_21 : i32
    %lt3A = arith.constant 0 : i32
    %lt3A_23 = arith.cmpi slt, %rem3A_20, %lt3A : i32
    %lt3A_24 = arith.constant 0 : i32
    %lt3A_25 = arith.cmpi slt, %select_n3A_19, %lt3A_24 : i32
    %ne3A_26 = arith.xori %lt3A_23, %lt3A_25 : i1
    %and3A_27 = arith.andi %ne3A_26, %ne3A_22 : i1
    %add3A = arith.addi %rem3A_20, %select_n3A_19 : i32
    %select_n3A_28 = arith.select %and3A_27, %add3A, %rem3A_20 : i32
    %c0_i32 = arith.constant 0 : i32
    %c0_i32_29 = arith.constant 0 : i32
    return %select_n3A, %c0_i32, %select_n3A_28 : i32, i32, i32
  }
  func.func @transform_1(%arg0: i32) -> (i32, i32) {
    %c0_i32 = arith.constant 0 : i32
    %c0_i32_0 = arith.constant 0 : i32
    %c0_i32_1 = arith.constant 0 : i32
    return %c0_i32, %c0_i32_0 : i32, i32
  }
  func.func @transform_2(%arg0: i32) -> (i32, i32, i32) {
    %c0_i32 = arith.constant 0 : i32
    %c0_i32_0 = arith.constant 0 : i32
    %c0_i32_1 = arith.constant 0 : i32
    return %arg0, %c0_i32, %c0_i32_0 : i32, i32, i32
  }
}

</mosaic_0001>

<sc_bundles>
// kernel: kernel.4.cloned.1.call-start
scs
__scs_entry_jumppad:
0x0: {  	(pc) =	sbr.rel $0x88, $3  }
0x1: {  	(tag) =	ssettag $0x0;
	lr =	simm.s32 $0x1  }
0x2: {  	[smem:$0x3F9F] =	sst lr;
	_ =	strace $0xD0000000  }
0x3: {  	_ = 	snop  }
0x4: {  	_ = 	snop  }
0x5: {  	_ = 	snop  }
0x6: {  	_ = 	snop  }
0x7: {  	_ = 	snop  }
__scs_overlays_trampoline_lowered:
0x8: {  	[smem:$0x3FAE] =	sst s0  }
0x9: {  	[smem:$0x3FAF] =	sst s1  }
0xa: {  	[smem:$0x3FB0] =	sst s2  }
0xb: {  	[smem:$0x3FB1] =	sst s3  }
0xc: {  	[smem:$0x3FB2] =	sst s4  }
0xd: {  	[smem:$0x3FB3] =	sst s5  }
0xe: {  	[smem:$0x3FB4] =	sst s6  }
0xf: {  	[smem:$0x3FB5] =	sst s7  }
0x10: {  	[smem:$0x3FB6] =	sst s8  }
0x11: {  	[smem:$0x3FB7] =	sst s9;
	s0 =	simm.s32 @!p0 $0x0  }
0x12: {  	s1 =	sld [smem:$0x3F9D];
	s0 =	simm.s32 @p0 $0x1  }
0x13: {  	[smem:$0x3FB8] =	sst s0;
	s0 =	simm.s32 @!p1 $0x0  }
0x14: {  	s2 =	sld [smem:$0x3F9C];
	s0 =	simm.s32 @p1 $0x1  }
0x15: {  	[smem:$0x3FB9] =	sst s0;
	s0 =	simm.s32 @!p2 $0x0  }
0x16: {  	s3 =	sld [smem:$0x3FDB];
	s0 =	simm.s32 @p2 $0x1  }
0x17: {  	s4 =	simm.s32 $0x1BF5;
	[smem:$0x3FBB] =	sst s0  }
0x18: {  	s0 =	sld [smem:$0x3F9E];
	_ =	swait.ge [sflag:s4], $0x0  }
0x19: {  	s7 =	sld [smem:$0x3F9F]  }
0x1a: {  	s8 =	sadd.s32 $0xFFFFE003, lr  }
0x1b: {  	s9 =	sadd.s32 $0xFFFFFEF7, lr;
	s5 =	simm.s32 $0xFFFFFFFF;
	p2 =	slt.u32 s8, $0xFFFFF086  }
0x1c: {  	p1 =	slt.u32 s9, $0xF7A;
	s5 =	simm.s32 @!p2 $0x0  }
0x1d: {  	s5 =	simm.s32 @p1 $0x1;
	p0 =	seq.s32 s7, s2  }
0x1e: {  	s7 =	smul.u32 @!p0 $0xF7A, s2;
	p2 =	seq.s32 @!p0 s5, $0x0  }
0x1f: {  	s9 =	smul.u32 $0xF7A, s1;
	s8 =	simm.s32 @!p0 $0x1BF5;
	p2 =	por !p2, p0  }
0x20: {  	[sflag:s8] =	ssyncset.s32 @!p0 $0xFFFFF086;
	s6 =	sadd.s32 @!p0 s3, s7;
	s7 =	simm.s32 @!p0 $0x108  }
0x21: {  	s3 =	sadd.s32 s3, s9;
	s6 =	sadd.s32 @!p0 $0x88, s6;
	s7 =	simm.s32 @p2 $0x1082  }
0x22: {  	[simem:s7], [sflag:s8] =	dma.local @!p0 [hbm:s6], $0xF7A  }
0x23: {  	s9 =	sor.u32 $0xD0000000, s2;
	s6 =	simm.s32 $0x108;
	_ =	swait.ge @!p0 [sflag:s8], $0x0  }
0x24: {  	s3 =	sadd.s32 $0x88, s3;
	s6 =	simm.s32 @!p1 $0x1082;
	[sflag:s4] =	ssyncset.s32 $0xFFFFF086  }
0x25: {  	[simem:s6], [sflag:s4] =	dma.local [hbm:s3], $0xF7A  }
0x26: {  	[smem:$0x3F9F] =	sst s1;
	(tag) =	ssettag s2;
	_ =	strace s9  }
0x27: {  	s1 =	sld [smem:$0x3FAF]  }
0x28: {  	s2 =	sld [smem:$0x3FB0]  }
0x29: {  	s4 =	sld [smem:$0x3FB2]  }
0x2a: {  	p0 =	seq.s32 s5, $0x0;
	s5 =	sld [smem:$0x3FB3]  }
0x2b: {  	s6 =	sld [smem:$0x3FB4]  }
0x2c: {  	s7 =	sld [smem:$0x3FB5]  }
0x2d: {  	s3 =	simm.s32 $0x108;
	s8 =	sld [smem:$0x3FB6]  }
0x2e: {  	s3 =	simm.s32 @!p0 $0x1082;
	s9 =	sld [smem:$0x3FB7]  }
0x2f: {  	lr =	sadd.s32 s0, s3;
	s0 =	sld [smem:$0x3FAE]  }
0x30: {  	s3 =	sld [smem:$0x3FB1]  }
0x31: {  	[smem:$0x3FBA] =	sst s10  }
0x32: {  	s10 =	sld [smem:$0x3FB8];
	_ =	sdelay $0x3  }
0x33: {  	p0 =	seq.s32 s10, $0x1;
	s10 =	sld [smem:$0x3FBA];
	_ =	sdelay $0x3  }
0x34: {  	[smem:$0x3FBA] =	sst s10  }
0x35: {  	s10 =	sld [smem:$0x3FB9];
	_ =	sdelay $0x3  }
0x36: {  	p1 =	seq.s32 s10, $0x1;
	s10 =	sld [smem:$0x3FBA];
	_ =	sdelay $0x3  }
0x37: {  	[smem:$0x3FBA] =	sst s10  }
0x38: {  	s10 =	sld [smem:$0x3FBB]  }
0x39: {  	_ = 	snop;
	(pc) =	sbr.ind lr, $3  }
0x3a: {  	_ = 	snop  }
0x3b: {  	_ = 	snop  }
0x3c: {  	p2 =	seq.s32 s10, $0x1;
	s10 =	sld [smem:$0x3FBA]  }
0x3d: {  	_ =	shalt  }
0x3e: {  	_ =	shalt  }
0x3f: {  	_ =	shalt  }
0x40: {  	_ =	shalt  }
0x41: {  	_ =	shalt  }
0x42: {  	_ =	shalt  }
0x43: {  	_ =	shalt  }
0x44: {  	_ =	shalt  }
0x45: {  	_ =	shalt  }
0x46: {  	_ =	shalt  }
0x47: {  	_ =	shalt  }
0x48: {  	_ =	shalt  }
0x49: {  	_ =	shalt  }
0x4a: {  	_ =	shalt  }
0x4b: {  	_ =	shalt  }
0x4c: {  	_ =	shalt  }
0x4d: {  	_ =	shalt  }
0x4e: {  	_ =	shalt  }
0x4f: {  	_ =	shalt  }
0x50: {  	_ =	shalt  }
0x51: {  	_ =	shalt  }
0x52: {  	_ =	shalt  }
0x53: {  	_ =	shalt  }
0x54: {  	_ =	shalt  }
0x55: {  	_ =	shalt  }
0x56: {  	_ =	shalt  }
0x57: {  	_ =	shalt  }
0x58: {  	_ =	shalt  }
0x59: {  	_ =	shalt  }
0x5a: {  	_ =	shalt  }
0x5b: {  	_ =	shalt  }
0x5c: {  	_ =	shalt  }
0x5d: {  	_ =	shalt  }
0x5e: {  	_ =	shalt  }
0x5f: {  	_ =	shalt  }
0x60: {  	_ =	shalt  }
0x61: {  	_ =	shalt  }
0x62: {  	_ =	shalt  }
0x63: {  	_ =	shalt  }
0x64: {  	_ =	shalt  }
0x65: {  	_ =	shalt  }
0x66: {  	_ =	shalt  }
0x67: {  	_ =	shalt  }
0x68: {  	_ =	shalt  }
0x69: {  	_ =	shalt  }
0x6a: {  	_ =	shalt  }
0x6b: {  	_ =	shalt  }
0x6c: {  	_ =	shalt  }
0x6d: {  	_ =	shalt  }
0x6e: {  	_ =	shalt  }
0x6f: {  	_ =	shalt  }
0x70: {  	_ =	shalt  }
0x71: {  	_ =	shalt  }
0x72: {  	_ =	shalt  }
0x73: {  	_ =	shalt  }
0x74: {  	_ =	shalt  }
0x75: {  	_ =	shalt  }
0x76: {  	_ =	shalt  }
0x77: {  	_ =	shalt  }
0x78: {  	_ =	shalt  }
0x79: {  	_ =	shalt  }
0x7a: {  	_ =	shalt  }
0x7b: {  	_ =	shalt  }
0x7c: {  	_ =	shalt  }
0x7d: {  	_ =	shalt  }
0x7e: {  	_ =	shalt  }
0x7f: {  	_ =	shalt  }
0x80: {  	_ =	shalt  }
0x81: {  	_ =	shalt  }
0x82: {  	_ =	shalt  }
0x83: {  	_ =	shalt  }
0x84: {  	_ =	shalt  }
0x85: {  	_ =	shalt  }
0x86: {  	_ =	shalt  }
0x87: {  	_ =	shalt  }
.Lfunc_end0:
.L_simem_size_0:
called_computation_lowered:
.L_overlay_start_0:
0x88: {  	s2 =	sld [smem:$0x3FD9]  }
0x89: {  	s3 =	sld [smem:$0x3FFE];
	_ =	sdelay $0x1  }
0x8a: {  	s1 =	srdreg.scid  }
0x8b: {  	s0 =	sand.u32 $0x1, s1  }
0x8c: {  	s14 =	sshll.u32 s0, $0xA;
	s2 =	sadd.s32 s3, s2  }
0x8d: {  	s2 =	sadd.s32 s2, s14  }
0x8e: {  	[smem:$0x3FC6] =	sst s2  }
0x8f: {  	_ = 	snop  }
0x90: {  	s2 =	sld [smem:$0x3FD0];
	_ =	sdelay $0x2  }
0x91: {  	s15 =	simm.s32 $0xA;
	s4 =	simm.s32 $0x10  }
0x92: {  	[smem:s4], [sflag:s15] =	dma.local [hbm:s2], $0x1  }
0x93: {  	_ =	swait.eq [sflag:s15], $0x1  }
0x94: {  	[sflag:s15] =	ssyncset.done $0x0  }
0x95: {  	s16 =	sld [smem:$0x10];
	[sflag:s15] =	ssyncadd.s32 $0xFFFFFFFF  }
0x96: {  	s17 =	sld [smem:$0x12];
	(tm) =	ssettm $0x1  }
0x97: {  	s18 =	sld [smem:$0x3FFB];
	_ =	sdelay $0x3  }
0x98: {  	_ =	strace s18  }
0x99: {  	s4 =	sld [smem:$0x3FFC];
	_ =	sdelay $0x3  }
0x9a: {  	_ =	strace s4  }
0x9b: {  	s4 =	sld [smem:$0x3FFD];
	_ =	sdelay $0x3  }
0x9c: {  	_ =	strace s4  }
0x9d: {  	_ =	strace $0x8FFFFFFF  }
0x9e: {  	s19 =	sld [smem:$0x3FDB];
	_ =	sdelay $0x1  }
0x9f: {  	s5 =	simm.s32 $_scs_section_size  }
0xa0: {  	s6 =	simm.s32 $_size__tile_overlayer_lowered;
	s7 =	simm.s32 $_tile_overlayer_lowered  }
0xa1: {  	s22 =	simm.s32 $0x1BFF;
	s21 =	sshll.u32 s7, $0x1;
	s4 =	sadd.s32 s5, s19  }
0xa2: {  	s8 =	simm.s32 $0x0;
	s20 =	sshll.u32 s6, $0x1;
	s6 =	sadd.s32 s21, s4  }
0xa3: {  	[timem:s8], [sflag:s22] =	dma.local [hbm:s6], s20  }
0xa4: {  	_ =	swait.ge [sflag:s22], s20  }
0xa5: {  	s5 =	ssub.s32 $0x0, s20;
	[sflag:s22] =	ssyncset.done $0x0  }
0xa6: {  	[sflag:s22] =	ssyncadd.s32 s5;
	_ =	sdelay $0x1  }
0xa7: {  	s23 =	simm.s32 $0x1B8B  }
0xa8: {  	_ =	swait.ge [sflag:s23], $0x1  }
0xa9: {  	[sflag:s23] =	ssyncset.done $0x0  }
0xaa: {  	s25 =	simm.s32 $0x1B8E;
	s24 =	sld [smem:$0x3FFE];
	[sflag:s23] =	ssyncadd.s32 $0xFFFFFFFF  }
0xab: {  	s26 =	simm.s32 $execute0_lowered;
	[smem:$0x3FD2] =	sst s25  }
0xac: {  	s6 =	sshll.u32 s26, $0x1;
	_ =	strace $0x80000046;
	[dreg:$0x1] =	wrdreg $0xFFFFFFFF  }
0xad: {  	s28 =	simm.s32 $_size_execute0_lowered;
	s4 =	sadd.s32 s4, s6;
	[dreg:$0x0] =	wrdreg $0x0  }
0xae: {  	s6 =	sshll.u32 s28, $0x1;
	[dreg:$0x2] =	wrdreg s4  }
0xaf: {  	[dreg:$0x3] =	wrdreg s6  }
0xb0: {  	[dreg:$0x4] =	wrdreg $0xC0  }
0xb1: {  	_ =	task [dreg:s8], $0x5FFFF  }
0xb2: {  	[dreg:$0x1] =	wrdreg $0xFFFFFFFF  }
0xb3: {  	[dreg:$0x0] =	wrdreg $0x60  }
0xb4: {  	[dreg:$0x2] =	wrdreg s16  }
0xb5: {  	[dreg:$0x3] =	wrdreg s24  }
0xb6: {  	[dreg:$0x4] =	wrdreg s17  }
0xb7: {  	[dreg:$0x5] =	wrdreg $0x9  }
0xb8: {  	_ =	task.clear_ibuf [dreg:s8], $0x6FFFF;
	_ =	strace $0x90000046  }
0xb9: {  	s29 =	simm.s32 $0x9;
	_ =	strace $0x80000048  }
0xba: {  	_ =	swait.ge [sflag:s29], $0x1  }
0xbb: {  	[sflag:s29] =	ssyncadd.s32 $0xFFFFFFFF  }
0xbc: {  	_ =	strace $0x90000048  }
0xbd: {  	_ =	sfence  }
0xbe: {  	s30 =	sld [smem:$0x0];
	_ =	sdelay $0x2  }
0xbf: {  	s31 =	sshll.u32 s1, $0xD;
	s1 =	sshrl.u32 s1, $0x2  }
0xc0: {  	s3 =	sand.u32 $0x4000, s31;
	s1 =	sadd.s32 s1, s30  }
0xc1: {  	s0 =	sor.u32 s3, s0;
	s1 =	sshll.u32 s1, $0x11  }
0xc2: {  	s0 =	sor.u32 s1, s0  }
0xc3: {  	s0 =	sadd.s32 $0x8F2B, s0  }
0xc4: {  	[sflag:s0] =	ssyncadd.remote.s32 $0x1  }
0xc5: {  	_ =	sfence.sel $0xFFFF  }
0xc6: {  	[dreg:$0x0] =	wrdreg $0xFFFFFFFF;
	(pc) =	sbr.abs _section_cstart, $3  }
0xc7: {  	[dreg:$0x1] =	wrdreg $0xFFFFFFFF  }
0xc8: {  	_ =	task.clear_ibuf [dreg:s8], $0x2FFFF;
	_ =	strace $0x9FFFFFFF  }
0xc9: {  	(tm) =	ssettm $0x7FFFFFFF  }
tec
execute0_lowered:
.L_overlay_start_1:
0x0: {  	(tag) =	ssettag $0x1  }
0x1: {  	s2 =	srdreg.scid  }
0x2: {  	s1 =	rddreg [dreg:$0x0];
	s0 =	stileid.u32;
	s23 =	sand.u32 $0x1, s2  }
0x3: {  	s4 =	rddreg [dreg:$0x1];
	s31 =	sshll.u32 s0, $0xB;
	s3 =	sshll.u32 s23, $0xA  }
0x4: {  	s22 =	rddreg [dreg:$0x2];
	s24 =	sor.u32 s3, s31  }
0x5: {  	s2 =	rddreg [dreg:$0x3];
	s3 =	simm.s32 $0x0;
	s5 =	sshrl.u32 s24, $0x3  }
0x6: {  	[smem:$0x7FF] =	sst s3;
	s4 =	sadd.s32 s5, s4  }
0x7: {  	_ =	strace $0x80000047;
	s5 =	sadd.s32 $0xC00, s4;
	s4 =	simm.s32 $0x2  }
0x8: {  	[tilespmem:s3], [sflag:$0x2] =	stream.linear.gather [hbm4b:s5+s3], $0x400, $0x38;
	[tilespmem:$0x8400] =	vst v63  }
0x9: {  	_ =	swait.ge [sflag:s4], $0x400  }
0xa: {  	[sflag:s4] =	ssyncset.done $0x0  }
0xb: {  	s6 =	simm.s32 $0x80;
	s7 =	simm.s32 $0x400;
	[sflag:s4] =	ssyncadd.s32 $0xFFFFFC00  }
0xc: {  	[tilespmem:s7], [sflag:$0x1] =	stream.indirect.gather [hbm4b:s1+s6], $0x20, s3, s6, $0xb8;
	[tilespmem:$0x8400] =	vst v63  }
0xd: {  	s8 =	simm.s32 $0x1400  }
0xe: {  	[tilespmem:s8], [sflag:$0x1] =	stream.indirect.gather [hbm4b:s1+s6], $0x20, s6, s6, $0xb8;
	[tilespmem:$0x8400] =	vst v63  }
0xf: {  	s9 =	simm.s32 $0x100;
	s10 =	simm.s32 $0x2400  }
0x10: {  	[tilespmem:s10], [sflag:$0x1] =	stream.indirect.gather [hbm4b:s1+s6], $0x20, s9, s6, $0xb8;
	[tilespmem:$0x8400] =	vst v63  }
0x11: {  	s11 =	simm.s32 $0x180;
	s12 =	simm.s32 $0x3400  }
0x12: {  	[tilespmem:s12], [sflag:$0x1] =	stream.indirect.gather [hbm4b:s1+s6], $0x20, s11, s6, $0xb8;
	[tilespmem:$0x8400] =	vst v63  }
0x13: {  	s13 =	simm.s32 $0x200;
	s14 =	simm.s32 $0x4400  }
0x14: {  	[tilespmem:s14], [sflag:$0x1] =	stream.indirect.gather [hbm4b:s1+s6], $0x20, s13, s6, $0xb8;
	[tilespmem:$0x8400] =	vst v63  }
0x15: {  	s15 =	simm.s32 $0x280;
	s16 =	simm.s32 $0x5400  }
0x16: {  	[tilespmem:s16], [sflag:$0x1] =	stream.indirect.gather [hbm4b:s1+s6], $0x20, s15, s6, $0xb8;
	[tilespmem:$0x8400] =	vst v63  }
0x17: {  	s17 =	simm.s32 $0x300;
	s18 =	simm.s32 $0x6400  }
0x18: {  	[tilespmem:s18], [sflag:$0x1] =	stream.indirect.gather [hbm4b:s1+s6], $0x20, s17, s6, $0xb8;
	[tilespmem:$0x8400] =	vst v63  }
0x19: {  	s19 =	simm.s32 $0x380;
	s20 =	simm.s32 $0x7400;
	s21 =	simm.s32 $0x1  }
0x1a: {  	[tilespmem:s20], [sflag:$0x1] =	stream.indirect.gather [hbm4b:s1+s6], $0x20, s19, s6, $0xb8;
	[tilespmem:$0x8400] =	vst v63  }
0x1b: {  	_ =	swait.ge [sflag:s21], $0x1000  }
0x1c: {  	[sflag:s21] =	ssyncset.done $0x0  }
0x1d: {  	[sflag:s21] =	ssyncadd.s32 $0xFFFFF000  }
0x1e: {  	_ =	swait.ge [sflag:s21], $0x1000  }
0x1f: {  	[sflag:s21] =	ssyncset.done $0x0  }
0x20: {  	[sflag:s21] =	ssyncadd.s32 $0xFFFFF000  }
0x21: {  	_ =	swait.ge [sflag:s21], $0x1000  }
0x22: {  	[sflag:s21] =	ssyncset.done $0x0  }
0x23: {  	[sflag:s21] =	ssyncadd.s32 $0xFFFFF000  }
0x24: {  	_ =	swait.ge [sflag:s21], $0x1000  }
0x25: {  	[sflag:s21] =	ssyncset.done $0x0  }
0x26: {  	[sflag:s21] =	ssyncadd.s32 $0xFFFFF000  }
0x27: {  	_ =	swait.ge [sflag:s21], $0x1000  }
0x28: {  	[sflag:s21] =	ssyncset.done $0x0  }
0x29: {  	[sflag:s21] =	ssyncadd.s32 $0xFFFFF000  }
0x2a: {  	_ =	swait.ge [sflag:s21], $0x1000  }
0x2b: {  	[sflag:s21] =	ssyncset.done $0x0  }
0x2c: {  	s23 =	ssub.s32 $0x2, s23;
	[sflag:s21] =	ssyncadd.s32 $0xFFFFF000  }
0x2d: {  	s25 =	sshrl.u32 s23, $0x1;
	_ =	swait.ge [sflag:s21], $0x1000  }
0x2e: {  	s23 =	ssub.s32 s23, s25;
	[sflag:s21] =	ssyncset.done $0x0  }
0x2f: {  	s23 =	smax.u32 s23, $0x1;
	[sflag:s21] =	ssyncadd.s32 $0xFFFFF000  }
0x30: {  	p0 =	sne.s32 s23, $0x1;
	_ =	swait.ge [sflag:s21], $0x1000  }
.Ltmp0:
0x31: {  	s24 =	sshll.u32 s24, $0x2;
	[sflag:s21] =	ssyncset.done $0x0;
	(pc) =	sbr.rel @!p0 .LBB2_2-.Ltmp0, $4  }
0x32: {  	s22 =	sadd.s32 s22, s24;
	[sflag:s21] =	ssyncadd.s32 $0xFFFFF000  }
0x33: {  	[hbm4b:s22+s3] =	stream.linear.scatter [tilespmem:s7], [sflag:$0x2], $0x8000, $0x38;
	[tilespmem:$0x8400] =	vst v63  }
0x34: {  	_ =	swait.ge [sflag:s4], $0x8000  }
0x35: {  	s23 =	sadd.s32 $0xFFFFFFFF, s23;
	[sflag:s4] =	ssyncset.done $0x0  }
.LBB2_1:
0x36: {  	p0 =	sne.s32 s23, $0x1;
	s23 =	sadd.s32 $0xFFFFFFFF, s23;
	[sflag:s4] =	ssyncadd.s32 $0xFFFF8000  }
0x37: {  	[tilespmem:s3], [sflag:$0x2] =	stream.linear.gather [hbm4b:s5+s3], $0x400, $0x38;
	[tilespmem:$0x8400] =	vst v63  }
0x38: {  	_ =	swait.ge [sflag:s4], $0x400  }
0x39: {  	[sflag:s4] =	ssyncset.done $0x0  }
0x3a: {  	[sflag:s4] =	ssyncadd.s32 $0xFFFFFC00  }
0x3b: {  	[tilespmem:s7], [sflag:$0x1] =	stream.indirect.gather [hbm4b:s1+s6], $0x20, s3, s6, $0xb8;
	[tilespmem:$0x8400] =	vst v63  }
0x3c: {  	_ = 	snop  }
0x3d: {  	[tilespmem:s8], [sflag:$0x1] =	stream.indirect.gather [hbm4b:s1+s6], $0x20, s6, s6, $0xb8;
	[tilespmem:$0x8400] =	vst v63  }
0x3e: {  	_ = 	snop  }
0x3f: {  	[tilespmem:s10], [sflag:$0x1] =	stream.indirect.gather [hbm4b:s1+s6], $0x20, s9, s6, $0xb8;
	[tilespmem:$0x8400] =	vst v63  }
0x40: {  	_ = 	snop  }
0x41: {  	[tilespmem:s12], [sflag:$0x1] =	stream.indirect.gather [hbm4b:s1+s6], $0x20, s11, s6, $0xb8;
	[tilespmem:$0x8400] =	vst v63  }
0x42: {  	_ = 	snop  }
0x43: {  	[tilespmem:s14], [sflag:$0x1] =	stream.indirect.gather [hbm4b:s1+s6], $0x20, s13, s6, $0xb8;
	[tilespmem:$0x8400] =	vst v63  }
0x44: {  	_ = 	snop  }
0x45: {  	[tilespmem:s16], [sflag:$0x1] =	stream.indirect.gather [hbm4b:s1+s6], $0x20, s15, s6, $0xb8;
	[tilespmem:$0x8400] =	vst v63  }
0x46: {  	_ = 	snop  }
0x47: {  	[tilespmem:s18], [sflag:$0x1] =	stream.indirect.gather [hbm4b:s1+s6], $0x20, s17, s6, $0xb8;
	[tilespmem:$0x8400] =	vst v63  }
0x48: {  	_ = 	snop  }
0x49: {  	[tilespmem:s20], [sflag:$0x1] =	stream.indirect.gather [hbm4b:s1+s6], $0x20, s19, s6, $0xb8;
	[tilespmem:$0x8400] =	vst v63  }
0x4a: {  	_ =	swait.ge [sflag:s21], $0x1000  }
0x4b: {  	[sflag:s21] =	ssyncset.done $0x0  }
0x4c: {  	[sflag:s21] =	ssyncadd.s32 $0xFFFFF000  }
0x4d: {  	_ =	swait.ge [sflag:s21], $0x1000  }
0x4e: {  	[sflag:s21] =	ssyncset.done $0x0  }
0x4f: {  	[sflag:s21] =	ssyncadd.s32 $0xFFFFF000  }
0x50: {  	_ =	swait.ge [sflag:s21], $0x1000  }
0x51: {  	[sflag:s21] =	ssyncset.done $0x0  }
0x52: {  	[sflag:s21] =	ssyncadd.s32 $0xFFFFF000  }
0x53: {  	_ =	swait.ge [sflag:s21], $0x1000  }
0x54: {  	[sflag:s21] =	ssyncset.done $0x0  }
0x55: {  	[sflag:s21] =	ssyncadd.s32 $0xFFFFF000  }
0x56: {  	_ =	swait.ge [sflag:s21], $0x1000  }
0x57: {  	[sflag:s21] =	ssyncset.done $0x0  }
0x58: {  	[sflag:s21] =	ssyncadd.s32 $0xFFFFF000  }
0x59: {  	_ =	swait.ge [sflag:s21], $0x1000  }
0x5a: {  	[sflag:s21] =	ssyncset.done $0x0  }
0x5b: {  	[sflag:s21] =	ssyncadd.s32 $0xFFFFF000  }
0x5c: {  	_ =	swait.ge [sflag:s21], $0x1000  }
0x5d: {  	[sflag:s21] =	ssyncset.done $0x0  }
0x5e: {  	[sflag:s21] =	ssyncadd.s32 $0xFFFFF000  }
0x5f: {  	_ =	swait.ge [sflag:s21], $0x1000  }
.Ltmp1:
0x60: {  	[sflag:s21] =	ssyncset.done $0x0;
	(pc) =	sbr.rel @p0 .LBB2_1-.Ltmp1, $4  }
0x61: {  	[sflag:s21] =	ssyncadd.s32 $0xFFFFF000  }
0x62: {  	[hbm4b:s22+s3] =	stream.linear.scatter [tilespmem:s7], [sflag:$0x2], $0x8000, $0x38;
	[tilespmem:$0x8400] =	vst v63  }
0x63: {  	_ =	swait.ge [sflag:s4], $0x8000  }
0x64: {  	[sflag:s4] =	ssyncset.done $0x0  }
.LBB2_2:
0x65: {  	[sflag:s4] =	ssyncadd.s32 $0xFFFF8000  }
0x66: {  	_ =	sfence.sel $0x180000  }
0x67: {  	[bflag:$0x0] =	sbarrier.arrive $0xFFFF  }
0x68: {  	p0 =	sne.s32 s0, $0x0;
	_ =	strace $0x90000047  }
0x69: {  	s0 =	sadd.s32 @!p0 $0x100000, s2;
	[bflag:$0x2] =	sbarrier.arrive $0xFFFF  }
0x6a: {  	[sflag:s0] =	ssyncadd.tile.s32 @!p0 $0x1;
	_ =	shalt  }
.Lfunc_end2:
_tile_overlayer_lowered:
.L_overlay_start_2:
0x6b: {  	(tag) =	ssettag $0x2  }
0x6c: {  	s0 =	rddreg [dreg:$0x0];
	s2 =	stileid.u32  }
0x6d: {  	s1 =	rddreg [dreg:$0x1];
	p0 =	sne.s32 s2, $0x0  }
0x6e: {  	s3 =	rddreg [dreg:$0x2];
	[bflag:$0x3] =	sbarrier.arrive $0xFFFF;
	s2 =	simm.s32 @!p0 $0x1C02  }
0x6f: {  	[timem:s3], [sflag:s2] =	dma.local @!p0 [hbm:s0], s1  }
0x70: {  	s0 =	simm.s32 @!p0 $0x2  }
0x71: {  	_ =	swait.ge @!p0 [sflag:s0], s1  }
0x72: {  	s1 =	ssub.s32 @!p0 $0x0, s1;
	[sflag:s0] =	ssyncset.done @!p0 $0x0  }
0x73: {  	[sflag:s0] =	ssyncadd.s32 @!p0 s1  }
0x74: {  	[bflag:$0x3] =	sbarrier.arrive $0xFFFF  }
0x75: {  	_ =	shalt  }

</sc_bundles>
